<compile_context>
chip_gen: v7x
topology: tpu7x:2x2x1
jax: 0.10.2.dev20260603
libtpu: 0.0.44.dev20260713+nightly
codegen_flags: <defaults>
</compile_context>

<pallas_src>
import jax
import jax.numpy as jnp
from jax.experimental import pallas as pl
from jax.experimental.pallas import tpu as pltpu

_DIM = 192
_HEADS = 4
_CH = 48
_H = 224
_W = 224
_HW = _H * _W
_NT = 1024
_GN = _HW // _NT
_WT = 7
_NWIN = 784
_GW = _NWIN // _WT
_CB = 16
_SP_KS = (32, 42, 48, 51)
_CH_KS = (24, 32, 36, 38)


def _qkv_mm_kernel(w_ref, x_ref, o_ref):
    o_ref[...] = jax.lax.dot(
        w_ref[...], x_ref[...],
        preferred_element_type=jnp.float32).astype(jnp.bfloat16)


def _dw_kernel(x_ref, w_ref, o_ref, nsq_ref):
    x = x_ref[...]
    w = w_ref[...]
    xp = jnp.pad(x, ((0, 0), (1, 1), (1, 1)))
    acc = w[:, 0:1, None] * xp[:, 0:_H, 0:_W]
    for i in range(1, 9):
        dy, dx = divmod(i, 3)
        acc = acc + w[:, i:i + 1, None] * xp[:, dy:dy + _H, dx:dx + _W]
    o_ref[...] = acc
    nsq_ref[...] = jnp.sum(acc * acc, axis=(1, 2), keepdims=True)[:, :, 0]


def _gram_kernel(q_ref, k_ref, iq_ref, ik_ref, s_ref):
    j = pl.program_id(0)

    @pl.when(j == 0)
    def _init():
        s_ref[...] = jnp.zeros_like(s_ref)

    qn = (q_ref[...] * iq_ref[...]).astype(jnp.bfloat16)
    kn = (k_ref[...] * ik_ref[...]).astype(jnp.bfloat16)
    for h in range(_HEADS):
        s_ref[h] += jax.lax.dot_general(
            qn[h * _CH:(h + 1) * _CH, :], kn[h * _CH:(h + 1) * _CH, :],
            (((1,), (1,)), ((), ())),
            preferred_element_type=jnp.float32)


def _combine_weights(a, e, ks, alphas):
    n = a.shape[-1]
    chunk = 32
    rks = []
    for j0 in range(0, n, chunk):
        ac = a[..., :, j0:j0 + chunk]
        gt = (a[..., :, None, :] > ac[..., :, :, None])
        rks.append(jnp.sum(gt.astype(jnp.float32), axis=-1))
    ranks = jnp.concatenate(rks, axis=-1)
    wsum = jnp.zeros_like(a)
    for kk, al in zip(ks, alphas):
        mask = (ranks < kk).astype(jnp.float32)
        den = jnp.sum(e * mask, axis=-1, keepdims=True)
        wsum = wsum + mask * (al / den)
    return e * wsum


def _spatial_kernel(t_ref, al_ref, ws_ref, o_ref):
    alphas = [al_ref[0], al_ref[1], al_ref[2], al_ref[3]]
    for h in range(_HEADS):
        q = ws_ref[0, :, h]
        k = ws_ref[1, :, h]
        v = ws_ref[2, :, h]
        t = t_ref[h]

        qn = (q / jnp.maximum(
            jnp.sqrt(jnp.sum(q * q, axis=-1, keepdims=True)),
            1e-12)).astype(jnp.bfloat16)
        kn = (k / jnp.maximum(
            jnp.sqrt(jnp.sum(k * k, axis=-1, keepdims=True)),
            1e-12)).astype(jnp.bfloat16)
        a = jax.lax.dot_general(
            qn, kn, (((2,), (2,)), ((0,), (0,))),
            preferred_element_type=jnp.float32) * t
        e = jnp.exp(a - jnp.max(a, axis=-1, keepdims=True))
        attn = _combine_weights(a, e, _SP_KS, alphas)
        o_ref[:, h] = jax.lax.dot_general(
            attn.astype(jnp.bfloat16), v.astype(jnp.bfloat16),
            (((2,), (1,)), ((0,), (0,))),
            preferred_element_type=jnp.float32)


def _channel_kernel(t_ref, al_ref, s_ref, ca_ref):
    alphas = [al_ref[0], al_ref[1], al_ref[2], al_ref[3]]
    for h in range(_HEADS):
        a = s_ref[h] * t_ref[h]
        e = jnp.exp(a - jnp.max(a, axis=-1, keepdims=True))
        ca_ref[h] = _combine_weights(a, e, _CH_KS, alphas)


def _out_kernel(ca_ref, p_ref, v_ref, sp_ref, o_ref):
    v = v_ref[...].astype(jnp.bfloat16)
    rows = []
    for h in range(_HEADS):
        rows.append(jax.lax.dot(
            ca_ref[h].astype(jnp.bfloat16), v[h * _CH:(h + 1) * _CH, :],
            preferred_element_type=jnp.float32))
    comb = jnp.concatenate(rows, axis=0) + sp_ref[...]
    o_ref[...] = jax.lax.dot(
        p_ref[...], comb.astype(jnp.bfloat16),
        preferred_element_type=jnp.float32)


def kernel(x, qkv_w, dw_w, proj_w, temperature, attn1, attn2, attn3, attn4):
    x2d = x.reshape(_DIM, _HW).astype(jnp.bfloat16)
    w1 = qkv_w.reshape(_DIM * 3, _DIM).astype(jnp.bfloat16)
    wd = dw_w.reshape(_DIM * 3, 9)
    pw = proj_w.reshape(_DIM, _DIM).astype(jnp.bfloat16)
    tvec = temperature.reshape(_HEADS)
    avec = jnp.concatenate([attn1, attn2, attn3, attn4])

    qkv2d = pl.pallas_call(
        _qkv_mm_kernel,
        grid=(_GN,),
        in_specs=[
            pl.BlockSpec((_DIM * 3, _DIM), lambda j: (0, 0)),
            pl.BlockSpec((_DIM, _NT), lambda j: (0, j)),
        ],
        out_specs=pl.BlockSpec((_DIM * 3, _NT), lambda j: (0, j)),
        out_shape=jax.ShapeDtypeStruct((_DIM * 3, _HW), jnp.bfloat16),
    )(w1, x2d)

    dw, nsq = pl.pallas_call(
        _dw_kernel,
        grid=(_DIM * 3 // _CB,),
        in_specs=[
            pl.BlockSpec((_CB, _H, _W), lambda j: (j, 0, 0)),
            pl.BlockSpec((_CB, 9), lambda j: (j, 0)),
        ],
        out_specs=[
            pl.BlockSpec((_CB, _H, _W), lambda j: (j, 0, 0)),
            pl.BlockSpec((_CB, 1), lambda j: (j, 0)),
        ],
        out_shape=[
            jax.ShapeDtypeStruct((_DIM * 3, _H, _W), jnp.float32),
            jax.ShapeDtypeStruct((_DIM * 3, 1), jnp.float32),
        ],
    )(qkv2d.reshape(_DIM * 3, _H, _W), wd)

    dw2d = dw.reshape(_DIM * 3, _HW)
    inv_n = 1.0 / jnp.maximum(jnp.sqrt(nsq), 1e-12)

    s_acc = pl.pallas_call(
        _gram_kernel,
        grid=(_GN,),
        in_specs=[
            pl.BlockSpec((_DIM, _NT), lambda j: (0, j)),
            pl.BlockSpec((_DIM, _NT), lambda j: (1, j)),
            pl.BlockSpec((_DIM, 1), lambda j: (0, 0)),
            pl.BlockSpec((_DIM, 1), lambda j: (1, 0)),
        ],
        out_specs=pl.BlockSpec((_HEADS, _CH, _CH), lambda j: (0, 0, 0)),
        out_shape=jax.ShapeDtypeStruct((_HEADS, _CH, _CH), jnp.float32),
    )(dw2d, dw2d, inv_n, inv_n)

    ca = pl.pallas_call(
        _channel_kernel,
        in_specs=[
            pl.BlockSpec(memory_space=pltpu.SMEM),
            pl.BlockSpec(memory_space=pltpu.SMEM),
            pl.BlockSpec((_HEADS, _CH, _CH), lambda: (0, 0, 0)),
        ],
        out_specs=pl.BlockSpec((_HEADS, _CH, _CH), lambda: (0, 0, 0)),
        out_shape=jax.ShapeDtypeStruct((_HEADS, _CH, _CH), jnp.float32),
    )(tvec, avec, s_acc)

    ws = jnp.transpose(
        dw.reshape(3, _HEADS, _CH, 28, 8, 28, 8),
        (0, 1, 3, 5, 4, 6, 2)).reshape(3, _NWIN, _HEADS, 64, _CH)

    so_w = pl.pallas_call(
        _spatial_kernel,
        grid=(_GW,),
        in_specs=[
            pl.BlockSpec(memory_space=pltpu.SMEM),
            pl.BlockSpec(memory_space=pltpu.SMEM),
            pl.BlockSpec((3, _WT, _HEADS, 64, _CH),
                         lambda j: (0, j, 0, 0, 0)),
        ],
        out_specs=pl.BlockSpec((_WT, _HEADS, 64, _CH), lambda j: (j, 0, 0, 0)),
        out_shape=jax.ShapeDtypeStruct((_NWIN, _HEADS, 64, _CH), jnp.float32),
    )(tvec, avec, ws)

    sp2d = jnp.transpose(so_w.reshape(_HEADS, _H, _W, _CH),
                         (0, 3, 1, 2)).reshape(_DIM, _HW)

    out2d = pl.pallas_call(
        _out_kernel,
        grid=(_GN,),
        in_specs=[
            pl.BlockSpec((_HEADS, _CH, _CH), lambda j: (0, 0, 0)),
            pl.BlockSpec((_DIM, _DIM), lambda j: (0, 0)),
            pl.BlockSpec((_DIM, _NT), lambda j: (2, j)),
            pl.BlockSpec((_DIM, _NT), lambda j: (0, j)),
        ],
        out_specs=pl.BlockSpec((_DIM, _NT), lambda j: (0, j)),
        out_shape=jax.ShapeDtypeStruct((_DIM, _HW), jnp.float32),
    )(ca, pw, dw2d, sp2d)

    return out2d.reshape(1, _DIM, _H, _W)

# --- scband reference (transcript-rebuilt; emitter-appended) ---
"""Pipeline reference for scband-tkmdattention-4793183502633 (READ-ONLY COPY).

The authoritative reference and input builder live on the scoring server;
editing this copy changes nothing except your own understanding.
"""

import jax, jax.numpy as jnp
import numpy as np

DIM = 192
HEADS = 4
CROP = 8

def conv2d(x, w, groups=1, padding=0):
    return jax.lax.conv_general_dilated(
        x, w, window_strides=(1, 1),
        padding=[(padding, padding), (padding, padding)],
        dimension_numbers=('NCHW', 'OIHW', 'NCHW'),
        feature_group_count=groups)

def l2norm(x, eps=1e-12):
    n = jnp.linalg.norm(x, axis=-1, keepdims=True)
    return x / jnp.maximum(n, eps)

def imgtowindows(img, Hc, Wc):
    B, num, C, H, W = img.shape
    r = img.reshape(B, num, C, H // Hc, Hc, W // Wc, Wc)
    p = jnp.transpose(r, (0, 1, 3, 5, 4, 6, 2))
    return p.reshape(-1, num, Hc * Wc, C)

def windowstoimg(wt, B, H, W):
    B_, num, N, C = wt.shape
    r = wt.reshape(B_ * N // (H * W), num, H, W, C)
    p = r.reshape(B, num, H, W, C)
    return jnp.transpose(p, (0, 1, 4, 2, 3))

def topk_mask(attn, k):
    _, idx = jax.lax.top_k(attn, k)
    shape = attn.shape
    flat = attn.reshape(-1, shape[-1])
    idxf = idx.reshape(-1, k)
    rows = jnp.arange(flat.shape[0])[:, None]
    mask = jnp.zeros_like(flat).at[rows, idxf].set(1.0)
    return mask.reshape(shape)

def masked_softmax(attn, k):
    mask = topk_mask(attn, k)
    a = jnp.where(mask > 0, attn, -jnp.inf)
    return jax.nn.softmax(a, axis=-1)

def setup_inputs(seed: int = 0) -> dict:
    key = jax.random.key(seed)
    k1, k2, k3, k4 = jax.random.split(key, 4)
    x = jax.random.normal(k1, (1, DIM, 224, 224), dtype=jnp.float32)
    qkv_w = jax.random.normal(k2, (DIM * 3, DIM, 1, 1), dtype=jnp.float32) * 0.05
    dw_w = jax.random.normal(k3, (DIM * 3, 1, 3, 3), dtype=jnp.float32) * 0.05
    proj_w = jax.random.normal(k4, (DIM, DIM, 1, 1), dtype=jnp.float32) * 0.05
    temperature = jnp.ones((HEADS, 1, 1), dtype=jnp.float32)
    attn1 = jnp.array([0.2], dtype=jnp.float32)
    attn2 = jnp.array([0.2], dtype=jnp.float32)
    attn3 = jnp.array([0.2], dtype=jnp.float32)
    attn4 = jnp.array([0.2], dtype=jnp.float32)
    return {"x": x, "qkv_w": qkv_w, "dw_w": dw_w, "proj_w": proj_w,
            "temperature": temperature, "attn1": attn1, "attn2": attn2,
            "attn3": attn3, "attn4": attn4}

def reference(x, qkv_w, dw_w, proj_w, temperature, attn1, attn2, attn3, attn4):
    b, c, h, w = x.shape
    qkv = conv2d(conv2d(x, qkv_w), dw_w, groups=DIM * 3, padding=1)
    q, k, v = jnp.split(qkv, 3, axis=1)
    ch = c // HEADS
    qc = q.reshape(b, HEADS, ch, h * w)
    kc = k.reshape(b, HEADS, ch, h * w)
    vc = v.reshape(b, HEADS, ch, h * w)
    qs = imgtowindows(q.reshape(b, HEADS, ch, h, w), CROP, CROP)
    ks = imgtowindows(k.reshape(b, HEADS, ch, h, w), CROP, CROP)
    vs = imgtowindows(v.reshape(b, HEADS, ch, h, w), CROP, CROP)
    qc = l2norm(qc); kc = l2norm(kc)
    qs = l2norm(qs); ks = l2norm(ks)
    C = qc.shape[2]
    N = qs.shape[2]
    channel_attn = (qc @ jnp.swapaxes(kc, -2, -1)) * temperature
    spatial_attn = (qs @ jnp.swapaxes(ks, -2, -1)) * temperature
    ca1 = masked_softmax(channel_attn, C // 2)
    ca2 = masked_softmax(channel_attn, (C * 2) // 3)
    ca3 = masked_softmax(channel_attn, (C * 3) // 4)
    ca4 = masked_softmax(channel_attn, (C * 4) // 5)
    sa1 = masked_softmax(spatial_attn, N // 2)
    sa2 = masked_softmax(spatial_attn, (N * 2) // 3)
    sa3 = masked_softmax(spatial_attn, (N * 3) // 4)
    sa4 = masked_softmax(spatial_attn, (N * 4) // 5)
    channel_out = (ca1 @ vc) * attn1 + (ca2 @ vc) * attn2 + (ca3 @ vc) * attn3 + (ca4 @ vc) * attn4
    spatial_out = (sa1 @ vs) * attn1 + (sa2 @ vs) * attn2 + (sa3 @ vs) * attn3 + (sa4 @ vs) * attn4
    spatial_out = windowstoimg(spatial_out, b, h, w)
    spatial_out = spatial_out.reshape(b, HEADS, ch, h * w)
    out = spatial_out + channel_out
    out = out.reshape(b, HEADS * ch, h, w)
    out = conv2d(out, proj_w)
    return out

if __name__ == "__main__":
    import jax
    _d = setup_inputs()
    print(jax.jit(kernel)(*tuple(_d.values())))

</pallas_src>

<mosaic_0001>
module attributes {stable_mosaic.version = 14 : i64} {
  func.func @_qkv_mm_kernel(%arg0: i32, %arg1: memref<576x192xbf16, #tpu.memory_space<vmem>>, %arg2: memref<192x1024xbf16, #tpu.memory_space<vmem>>, %arg3: memref<576x1024xbf16, #tpu.memory_space<vmem>>) attributes {dimension_semantics = [#tpu.dimension_semantics<arbitrary>], iteration_bounds = array<i64: 49>, scalar_prefetch = 0 : i64, scratch_operands = 0 : i64, tpu.core_type = #tpu.core_type<tc>, window_params = [{pipeline_mode = #tpu.pipeline_mode<synchronous>, transform_indices = @transform_0, window_bounds = array<i64: 576, 192>}, {transform_indices = @transform_1, window_bounds = array<i64: 192, 1024>}, {transform_indices = @transform_2, window_bounds = array<i64: 576, 1024>}]} {
    %get3A = arith.constant 0 : index
    %get3A_0 = arith.constant 0 : index
    %get3A_1 = vector.load %arg1[%get3A, %get3A_0] : memref<576x192xbf16, #tpu.memory_space<vmem>>, vector<576x192xbf16>
    %get3A_2 = arith.constant 0 : index
    %get3A_3 = arith.constant 0 : index
    %get3A_4 = vector.load %arg2[%get3A_2, %get3A_3] : memref<192x1024xbf16, #tpu.memory_space<vmem>>, vector<192x1024xbf16>
    %dot_general3A = arith.constant dense<0.000000e+00> : vector<576x1024xf32>
    %dot_general3A_5 = tpu.matmul %get3A_1, %get3A_4, %dot_general3A {dimension_numbers = #tpu.dot_dimension_numbers<[1], [0], [0], [1], [0, 0, 1, 1], [], []>, transpose_lhs_hint = false} : vector<576x192xbf16>, vector<192x1024xbf16>, vector<576x1024xf32> -> vector<576x1024xf32>
    %convert_element_type3A = arith.truncf %dot_general3A_5 : vector<576x1024xf32> to vector<576x1024xbf16>
    %swap3A = arith.constant 0 : index
    %swap3A_6 = arith.constant 0 : index
    %swap3A_7 = vector.load %arg3[%swap3A, %swap3A_6] : memref<576x1024xbf16, #tpu.memory_space<vmem>>, vector<576x1024xbf16>
    tpu.vector_store %arg3[%swap3A, %swap3A_6], %convert_element_type3A {strides = array<i32>} : memref<576x1024xbf16, #tpu.memory_space<vmem>>, vector<576x1024xbf16>,
    return
  }
  func.func @transform_0(%arg0: i32) -> (i32, i32) {
    %c0_i32 = arith.constant 0 : i32
    %c0_i32_0 = arith.constant 0 : i32
    %c0_i32_1 = arith.constant 0 : i32
    return %c0_i32, %c0_i32_0 : i32, i32
  }
  func.func @transform_1(%arg0: i32) -> (i32, i32) {
    %c0_i32 = arith.constant 0 : i32
    %c0_i32_0 = arith.constant 0 : i32
    return %c0_i32, %arg0 : i32, i32
  }
  func.func @transform_2(%arg0: i32) -> (i32, i32) {
    %c0_i32 = arith.constant 0 : i32
    %c0_i32_0 = arith.constant 0 : i32
    return %c0_i32, %arg0 : i32, i32
  }
}

module attributes {stable_mosaic.version = 14 : i64} {
  func.func @_dw_kernel(%arg0: i32, %arg1: memref<16x224x224xbf16, #tpu.memory_space<vmem>>, %arg2: memref<16x9xf32, #tpu.memory_space<vmem>>, %arg3: memref<16x224x224xf32, #tpu.memory_space<vmem>>, %arg4: memref<16x1xf32, #tpu.memory_space<vmem>>) attributes {dimension_semantics = [#tpu.dimension_semantics<arbitrary>], iteration_bounds = array<i64: 36>, scalar_prefetch = 0 : i64, scratch_operands = 0 : i64, tpu.core_type = #tpu.core_type<tc>, window_params = [{transform_indices = @transform_0, window_bounds = array<i64: 16, 224, 224>}, {transform_indices = @transform_1, window_bounds = array<i64: 16, 9>}, {transform_indices = @transform_2, window_bounds = array<i64: 16, 224, 224>}, {transform_indices = @transform_3, window_bounds = array<i64: 16, 1>}]} {
    %get3A = arith.constant 0 : index
    %get3A_0 = arith.constant 0 : index
    %get3A_1 = arith.constant 0 : index
    %get3A_2 = vector.load %arg1[%get3A, %get3A_0, %get3A_1] : memref<16x224x224xbf16, #tpu.memory_space<vmem>>, vector<16x224x224xbf16>
    %get3A_3 = arith.constant 0 : index
    %get3A_4 = arith.constant 0 : index
    %get3A_5 = vector.load %arg2[%get3A_3, %get3A_4] : memref<16x9xf32, #tpu.memory_space<vmem>>, vector<16x9xf32>
    %jit3A = arith.constant 0 : i32
    %convert_element_type3A = arith.sitofp %jit3A : i32 to bf16
    %pad3A = vector.broadcast %convert_element_type3A : bf16 to vector<16x1x224xbf16>
    %pad3A_6 = tpu.concatenate %pad3A, %get3A_2 in 1 : vector<16x1x224xbf16>, vector<16x224x224xbf16> -> vector<16x225x224xbf16>
    %pad3A_7 = vector.broadcast %convert_element_type3A : bf16 to vector<16x1x224xbf16>
    %pad3A_8 = tpu.concatenate %pad3A_6, %pad3A_7 in 1 : vector<16x225x224xbf16>, vector<16x1x224xbf16> -> vector<16x226x224xbf16>
    %pad3A_9 = vector.broadcast %convert_element_type3A : bf16 to vector<16x226x1xbf16>
    %pad3A_10 = tpu.concatenate %pad3A_9, %pad3A_8 in 2 : vector<16x226x1xbf16>, vector<16x226x224xbf16> -> vector<16x226x225xbf16>
    %pad3A_11 = vector.broadcast %convert_element_type3A : bf16 to vector<16x226x1xbf16>
    %pad3A_12 = tpu.concatenate %pad3A_10, %pad3A_11 in 2 : vector<16x226x225xbf16>, vector<16x226x1xbf16> -> vector<16x226x226xbf16>
    %slice3A = vector.extract_strided_slice %get3A_5 {offsets = [0, 0], sizes = [16, 1], strides = [1, 1]} : vector<16x9xf32> to vector<16x1xf32>
    %broadcast_in_dim3A = vector.shape_cast %slice3A : vector<16x1xf32> to vector<16x1x1xf32>
    %slice3A_13 = vector.extract_strided_slice %pad3A_12 {offsets = [0, 0, 0], sizes = [16, 224, 224], strides = [1, 1, 1]} : vector<16x226x226xbf16> to vector<16x224x224xbf16>
    %convert_element_type3A_14 = arith.extf %slice3A_13 : vector<16x224x224xbf16> to vector<16x224x224xf32>
    %mul3A = vector.broadcast %broadcast_in_dim3A : vector<16x1x1xf32> to vector<16x224x224xf32>
    %mul3A_15 = arith.mulf %mul3A, %convert_element_type3A_14 : vector<16x224x224xf32>
    %slice3A_16 = vector.extract_strided_slice %get3A_5 {offsets = [0, 1], sizes = [16, 1], strides = [1, 1]} : vector<16x9xf32> to vector<16x1xf32>
    %broadcast_in_dim3A_17 = vector.shape_cast %slice3A_16 : vector<16x1xf32> to vector<16x1x1xf32>
    %slice3A_18 = vector.extract_strided_slice %pad3A_12 {offsets = [0, 0, 1], sizes = [16, 224, 224], strides = [1, 1, 1]} : vector<16x226x226xbf16> to vector<16x224x224xbf16>
    %convert_element_type3A_19 = arith.extf %slice3A_18 : vector<16x224x224xbf16> to vector<16x224x224xf32>
    %mul3A_20 = vector.broadcast %broadcast_in_dim3A_17 : vector<16x1x1xf32> to vector<16x224x224xf32>
    %mul3A_21 = arith.mulf %mul3A_20, %convert_element_type3A_19 : vector<16x224x224xf32>
    %add3A = arith.addf %mul3A_15, %mul3A_21 : vector<16x224x224xf32>
    %slice3A_22 = vector.extract_strided_slice %get3A_5 {offsets = [0, 2], sizes = [16, 1], strides = [1, 1]} : vector<16x9xf32> to vector<16x1xf32>
    %broadcast_in_dim3A_23 = vector.shape_cast %slice3A_22 : vector<16x1xf32> to vector<16x1x1xf32>
    %slice3A_24 = vector.extract_strided_slice %pad3A_12 {offsets = [0, 0, 2], sizes = [16, 224, 224], strides = [1, 1, 1]} : vector<16x226x226xbf16> to vector<16x224x224xbf16>
    %convert_element_type3A_25 = arith.extf %slice3A_24 : vector<16x224x224xbf16> to vector<16x224x224xf32>
    %mul3A_26 = vector.broadcast %broadcast_in_dim3A_23 : vector<16x1x1xf32> to vector<16x224x224xf32>
    %mul3A_27 = arith.mulf %mul3A_26, %convert_element_type3A_25 : vector<16x224x224xf32>
    %add3A_28 = arith.addf %add3A, %mul3A_27 : vector<16x224x224xf32>
    %slice3A_29 = vector.extract_strided_slice %get3A_5 {offsets = [0, 3], sizes = [16, 1], strides = [1, 1]} : vector<16x9xf32> to vector<16x1xf32>
    %broadcast_in_dim3A_30 = vector.shape_cast %slice3A_29 : vector<16x1xf32> to vector<16x1x1xf32>
    %slice3A_31 = vector.extract_strided_slice %pad3A_12 {offsets = [0, 1, 0], sizes = [16, 224, 224], strides = [1, 1, 1]} : vector<16x226x226xbf16> to vector<16x224x224xbf16>
    %convert_element_type3A_32 = arith.extf %slice3A_31 : vector<16x224x224xbf16> to vector<16x224x224xf32>
    %mul3A_33 = vector.broadcast %broadcast_in_dim3A_30 : vector<16x1x1xf32> to vector<16x224x224xf32>
    %mul3A_34 = arith.mulf %mul3A_33, %convert_element_type3A_32 : vector<16x224x224xf32>
    %add3A_35 = arith.addf %add3A_28, %mul3A_34 : vector<16x224x224xf32>
    %slice3A_36 = vector.extract_strided_slice %get3A_5 {offsets = [0, 4], sizes = [16, 1], strides = [1, 1]} : vector<16x9xf32> to vector<16x1xf32>
    %broadcast_in_dim3A_37 = vector.shape_cast %slice3A_36 : vector<16x1xf32> to vector<16x1x1xf32>
    %slice3A_38 = vector.extract_strided_slice %pad3A_12 {offsets = [0, 1, 1], sizes = [16, 224, 224], strides = [1, 1, 1]} : vector<16x226x226xbf16> to vector<16x224x224xbf16>
    %convert_element_type3A_39 = arith.extf %slice3A_38 : vector<16x224x224xbf16> to vector<16x224x224xf32>
    %mul3A_40 = vector.broadcast %broadcast_in_dim3A_37 : vector<16x1x1xf32> to vector<16x224x224xf32>
    %mul3A_41 = arith.mulf %mul3A_40, %convert_element_type3A_39 : vector<16x224x224xf32>
    %add3A_42 = arith.addf %add3A_35, %mul3A_41 : vector<16x224x224xf32>
    %slice3A_43 = vector.extract_strided_slice %get3A_5 {offsets = [0, 5], sizes = [16, 1], strides = [1, 1]} : vector<16x9xf32> to vector<16x1xf32>
    %broadcast_in_dim3A_44 = vector.shape_cast %slice3A_43 : vector<16x1xf32> to vector<16x1x1xf32>
    %slice3A_45 = vector.extract_strided_slice %pad3A_12 {offsets = [0, 1, 2], sizes = [16, 224, 224], strides = [1, 1, 1]} : vector<16x226x226xbf16> to vector<16x224x224xbf16>
    %convert_element_type3A_46 = arith.extf %slice3A_45 : vector<16x224x224xbf16> to vector<16x224x224xf32>
    %mul3A_47 = vector.broadcast %broadcast_in_dim3A_44 : vector<16x1x1xf32> to vector<16x224x224xf32>
    %mul3A_48 = arith.mulf %mul3A_47, %convert_element_type3A_46 : vector<16x224x224xf32>
    %add3A_49 = arith.addf %add3A_42, %mul3A_48 : vector<16x224x224xf32>
    %slice3A_50 = vector.extract_strided_slice %get3A_5 {offsets = [0, 6], sizes = [16, 1], strides = [1, 1]} : vector<16x9xf32> to vector<16x1xf32>
    %broadcast_in_dim3A_51 = vector.shape_cast %slice3A_50 : vector<16x1xf32> to vector<16x1x1xf32>
    %slice3A_52 = vector.extract_strided_slice %pad3A_12 {offsets = [0, 2, 0], sizes = [16, 224, 224], strides = [1, 1, 1]} : vector<16x226x226xbf16> to vector<16x224x224xbf16>
    %convert_element_type3A_53 = arith.extf %slice3A_52 : vector<16x224x224xbf16> to vector<16x224x224xf32>
    %mul3A_54 = vector.broadcast %broadcast_in_dim3A_51 : vector<16x1x1xf32> to vector<16x224x224xf32>
    %mul3A_55 = arith.mulf %mul3A_54, %convert_element_type3A_53 : vector<16x224x224xf32>
    %add3A_56 = arith.addf %add3A_49, %mul3A_55 : vector<16x224x224xf32>
    %slice3A_57 = vector.extract_strided_slice %get3A_5 {offsets = [0, 7], sizes = [16, 1], strides = [1, 1]} : vector<16x9xf32> to vector<16x1xf32>
    %broadcast_in_dim3A_58 = vector.shape_cast %slice3A_57 : vector<16x1xf32> to vector<16x1x1xf32>
    %slice3A_59 = vector.extract_strided_slice %pad3A_12 {offsets = [0, 2, 1], sizes = [16, 224, 224], strides = [1, 1, 1]} : vector<16x226x226xbf16> to vector<16x224x224xbf16>
    %convert_element_type3A_60 = arith.extf %slice3A_59 : vector<16x224x224xbf16> to vector<16x224x224xf32>
    %mul3A_61 = vector.broadcast %broadcast_in_dim3A_58 : vector<16x1x1xf32> to vector<16x224x224xf32>
    %mul3A_62 = arith.mulf %mul3A_61, %convert_element_type3A_60 : vector<16x224x224xf32>
    %add3A_63 = arith.addf %add3A_56, %mul3A_62 : vector<16x224x224xf32>
    %slice3A_64 = vector.extract_strided_slice %get3A_5 {offsets = [0, 8], sizes = [16, 1], strides = [1, 1]} : vector<16x9xf32> to vector<16x1xf32>
    %broadcast_in_dim3A_65 = vector.shape_cast %slice3A_64 : vector<16x1xf32> to vector<16x1x1xf32>
    %slice3A_66 = vector.extract_strided_slice %pad3A_12 {offsets = [0, 2, 2], sizes = [16, 224, 224], strides = [1, 1, 1]} : vector<16x226x226xbf16> to vector<16x224x224xbf16>
    %convert_element_type3A_67 = arith.extf %slice3A_66 : vector<16x224x224xbf16> to vector<16x224x224xf32>
    %mul3A_68 = vector.broadcast %broadcast_in_dim3A_65 : vector<16x1x1xf32> to vector<16x224x224xf32>
    %mul3A_69 = arith.mulf %mul3A_68, %convert_element_type3A_67 : vector<16x224x224xf32>
    %add3A_70 = arith.addf %add3A_63, %mul3A_69 : vector<16x224x224xf32>
    %swap3A = arith.constant 0 : index
    %swap3A_71 = arith.constant 0 : index
    %swap3A_72 = arith.constant 0 : index
    %swap3A_73 = vector.load %arg3[%swap3A, %swap3A_71, %swap3A_72] : memref<16x224x224xf32, #tpu.memory_space<vmem>>, vector<16x224x224xf32>
    tpu.vector_store %arg3[%swap3A, %swap3A_71, %swap3A_72], %add3A_70 {strides = array<i32>} : memref<16x224x224xf32, #tpu.memory_space<vmem>>, vector<16x224x224xf32>,
    %mul3A_74 = arith.mulf %add3A_70, %add3A_70 : vector<16x224x224xf32>
    %reduce_sum3A = arith.constant dense<0.000000e+00> : vector<16xf32>
    %reduce_sum3A_75 = vector.multi_reduction <add>, %mul3A_74, %reduce_sum3A [1, 2] : vector<16x224x224xf32> to vector<16xf32>
    %broadcast_in_dim3A_76 = vector.shape_cast %reduce_sum3A_75 : vector<16xf32> to vector<16x1x1xf32>
    %squeeze3A = vector.shape_cast %broadcast_in_dim3A_76 : vector<16x1x1xf32> to vector<16x1xf32>
    %swap3A_77 = arith.constant 0 : index
    %swap3A_78 = arith.constant 0 : index
    %swap3A_79 = vector.load %arg4[%swap3A_77, %swap3A_78] : memref<16x1xf32, #tpu.memory_space<vmem>>, vector<16x1xf32>
    tpu.vector_store %arg4[%swap3A_77, %swap3A_78], %squeeze3A {strides = array<i32>} : memref<16x1xf32, #tpu.memory_space<vmem>>, vector<16x1xf32>,
    return
  }
  func.func @transform_0(%arg0: i32) -> (i32, i32, i32) {
    %c0_i32 = arith.constant 0 : i32
    %c0_i32_0 = arith.constant 0 : i32
    %c0_i32_1 = arith.constant 0 : i32
    return %arg0, %c0_i32, %c0_i32_0 : i32, i32, i32
  }
  func.func @transform_1(%arg0: i32) -> (i32, i32) {
    %c0_i32 = arith.constant 0 : i32
    %c0_i32_0 = arith.constant 0 : i32
    return %arg0, %c0_i32 : i32, i32
  }
  func.func @transform_2(%arg0: i32) -> (i32, i32, i32) {
    %c0_i32 = arith.constant 0 : i32
    %c0_i32_0 = arith.constant 0 : i32
    %c0_i32_1 = arith.constant 0 : i32
    return %arg0, %c0_i32, %c0_i32_0 : i32, i32, i32
  }
  func.func @transform_3(%arg0: i32) -> (i32, i32) {
    %c0_i32 = arith.constant 0 : i32
    %c0_i32_0 = arith.constant 0 : i32
    return %arg0, %c0_i32 : i32, i32
  }
}

module attributes {stable_mosaic.version = 14 : i64} {
  func.func @_spatial_kernel(%arg0: i32, %arg1: memref<4xf32, #tpu.memory_space<smem>>, %arg2: memref<4xf32, #tpu.memory_space<smem>>, %arg3: memref<3x7x4x64x48xf32, #tpu.memory_space<vmem>>, %arg4: memref<7x4x64x48xf32, #tpu.memory_space<vmem>>) attributes {dimension_semantics = [#tpu.dimension_semantics<arbitrary>], iteration_bounds = array<i64: 112>, scalar_prefetch = 0 : i64, scratch_operands = 0 : i64, tpu.core_type = #tpu.core_type<tc>, window_params = [{transform_indices = @transform_0, window_bounds = array<i64: 4>}, {transform_indices = @transform_1, window_bounds = array<i64: 4>}, {transform_indices = @transform_2, window_bounds = array<i64: 3, 7, 4, 64, 48>}, {transform_indices = @transform_3, window_bounds = array<i64: 7, 4, 64, 48>}]} {
    %get3A = arith.constant 0 : index
    %get3A_0 = memref.load %arg2[%get3A] : memref<4xf32, #tpu.memory_space<smem>>
    %get3A_1 = arith.constant 1 : index
    %get3A_2 = memref.load %arg2[%get3A_1] : memref<4xf32, #tpu.memory_space<smem>>
    %get3A_3 = arith.constant 2 : index
    %get3A_4 = memref.load %arg2[%get3A_3] : memref<4xf32, #tpu.memory_space<smem>>
    %get3A_5 = arith.constant 3 : index
    %get3A_6 = memref.load %arg2[%get3A_5] : memref<4xf32, #tpu.memory_space<smem>>
    %get3A_7 = arith.constant 0 : index
    %get3A_8 = arith.constant 0 : index
    %get3A_9 = arith.constant 0 : index
    %get3A_10 = arith.constant 0 : index
    %get3A_11 = arith.constant 0 : index
    %get3A_12 = vector.load %arg3[%get3A_7, %get3A_8, %get3A_9, %get3A_10, %get3A_11] : memref<3x7x4x64x48xf32, #tpu.memory_space<vmem>>, vector<1x7x1x64x48xf32>
    %get3A_13 = vector.shape_cast %get3A_12 : vector<1x7x1x64x48xf32> to vector<7x64x48xf32>
    %get3A_14 = arith.constant 1 : index
    %get3A_15 = arith.constant 0 : index
    %get3A_16 = arith.constant 0 : index
    %get3A_17 = arith.constant 0 : index
    %get3A_18 = arith.constant 0 : index
    %get3A_19 = vector.load %arg3[%get3A_14, %get3A_15, %get3A_16, %get3A_17, %get3A_18] : memref<3x7x4x64x48xf32, #tpu.memory_space<vmem>>, vector<1x7x1x64x48xf32>
    %get3A_20 = vector.shape_cast %get3A_19 : vector<1x7x1x64x48xf32> to vector<7x64x48xf32>
    %get3A_21 = arith.constant 2 : index
    %get3A_22 = arith.constant 0 : index
    %get3A_23 = arith.constant 0 : index
    %get3A_24 = arith.constant 0 : index
    %get3A_25 = arith.constant 0 : index
    %get3A_26 = vector.load %arg3[%get3A_21, %get3A_22, %get3A_23, %get3A_24, %get3A_25] : memref<3x7x4x64x48xf32, #tpu.memory_space<vmem>>, vector<1x7x1x64x48xf32>
    %get3A_27 = vector.shape_cast %get3A_26 : vector<1x7x1x64x48xf32> to vector<7x64x48xf32>
    %get3A_28 = arith.constant 0 : index
    %get3A_29 = memref.load %arg1[%get3A_28] : memref<4xf32, #tpu.memory_space<smem>>
    %mul3A = arith.mulf %get3A_13, %get3A_13 : vector<7x64x48xf32>
    %reduce_sum3A = arith.constant dense<0.000000e+00> : vector<7x64xf32>
    %reduce_sum3A_30 = vector.multi_reduction <add>, %mul3A, %reduce_sum3A [2] : vector<7x64x48xf32> to vector<7x64xf32>
    %broadcast_in_dim3A = vector.shape_cast %reduce_sum3A_30 : vector<7x64xf32> to vector<7x64x1xf32>
    %sqrt3A = math.sqrt %broadcast_in_dim3A : vector<7x64x1xf32>
    %max3A = arith.constant 9.99999996E-13 : f32
    %max3A_31 = vector.broadcast %max3A : f32 to vector<7x64x1xf32>
    %max3A_32 = arith.maximumf %sqrt3A, %max3A_31 : vector<7x64x1xf32>
    %div3A = vector.broadcast %max3A_32 : vector<7x64x1xf32> to vector<7x64x48xf32>
    %div3A_33 = arith.divf %get3A_13, %div3A : vector<7x64x48xf32>
    %convert_element_type3A = arith.truncf %div3A_33 : vector<7x64x48xf32> to vector<7x64x48xbf16>
    %mul3A_34 = arith.mulf %get3A_20, %get3A_20 : vector<7x64x48xf32>
    %reduce_sum3A_35 = arith.constant dense<0.000000e+00> : vector<7x64xf32>
    %reduce_sum3A_36 = vector.multi_reduction <add>, %mul3A_34, %reduce_sum3A_35 [2] : vector<7x64x48xf32> to vector<7x64xf32>
    %broadcast_in_dim3A_37 = vector.shape_cast %reduce_sum3A_36 : vector<7x64xf32> to vector<7x64x1xf32>
    %sqrt3A_38 = math.sqrt %broadcast_in_dim3A_37 : vector<7x64x1xf32>
    %max3A_39 = arith.constant 9.99999996E-13 : f32
    %max3A_40 = vector.broadcast %max3A_39 : f32 to vector<7x64x1xf32>
    %max3A_41 = arith.maximumf %sqrt3A_38, %max3A_40 : vector<7x64x1xf32>
    %div3A_42 = vector.broadcast %max3A_41 : vector<7x64x1xf32> to vector<7x64x48xf32>
    %div3A_43 = arith.divf %get3A_20, %div3A_42 : vector<7x64x48xf32>
    %convert_element_type3A_44 = arith.truncf %div3A_43 : vector<7x64x48xf32> to vector<7x64x48xbf16>
    %dot_general3A = arith.constant dense<0.000000e+00> : vector<7x64x64xf32>
    %dot_general3A_45 = tpu.matmul %convert_element_type3A, %convert_element_type3A_44, %dot_general3A {dimension_numbers = #tpu.dot_dimension_numbers<[2], [2], [1], [1], [0, 0, 0, 1, 1, 1], [0], [0]>, transpose_lhs_hint = false} : vector<7x64x48xbf16>, vector<7x64x48xbf16>, vector<7x64x64xf32> -> vector<7x64x64xf32>
    %mul3A_46 = vector.broadcast %get3A_29 : f32 to vector<7x64x64xf32>
    %mul3A_47 = arith.mulf %dot_general3A_45, %mul3A_46 : vector<7x64x64xf32>
    %reduce_max3A = arith.constant dense<0xFF800000> : vector<7x64xf32>
    %reduce_max3A_48 = vector.multi_reduction <maximumf>, %mul3A_47, %reduce_max3A [2] : vector<7x64x64xf32> to vector<7x64xf32>
    %broadcast_in_dim3A_49 = vector.shape_cast %reduce_max3A_48 : vector<7x64xf32> to vector<7x64x1xf32>
    %sub3A = vector.broadcast %broadcast_in_dim3A_49 : vector<7x64x1xf32> to vector<7x64x64xf32>
    %sub3A_50 = arith.subf %mul3A_47, %sub3A : vector<7x64x64xf32>
    %exp3A = math.exp %sub3A_50 : vector<7x64x64xf32>
    %slice3A = vector.extract_strided_slice %mul3A_47 {offsets = [0, 0, 0], sizes = [7, 64, 32], strides = [1, 1, 1]} : vector<7x64x64xf32> to vector<7x64x32xf32>
    %broadcast_in_dim3A_51 = vector.shape_cast %mul3A_47 : vector<7x64x64xf32> to vector<7x64x1x64xf32>
    %broadcast_in_dim3A_52 = vector.shape_cast %slice3A : vector<7x64x32xf32> to vector<7x64x32x1xf32>
    %gt3A = vector.broadcast %broadcast_in_dim3A_51 : vector<7x64x1x64xf32> to vector<7x64x32x64xf32>
    %gt3A_53 = vector.broadcast %broadcast_in_dim3A_52 : vector<7x64x32x1xf32> to vector<7x64x32x64xf32>
    %gt3A_54 = arith.cmpf ogt, %gt3A, %gt3A_53 : vector<7x64x32x64xf32>
    %convert_element_type3A_55 = arith.extui %gt3A_54 : vector<7x64x32x64xi1> to vector<7x64x32x64xi32>
    %convert_element_type3A_56 = arith.sitofp %convert_element_type3A_55 : vector<7x64x32x64xi32> to vector<7x64x32x64xf32>
    %reduce_sum3A_57 = arith.constant dense<0.000000e+00> : vector<7x64x32xf32>
    %reduce_sum3A_58 = vector.multi_reduction <add>, %convert_element_type3A_56, %reduce_sum3A_57 [3] : vector<7x64x32x64xf32> to vector<7x64x32xf32>
    %slice3A_59 = vector.extract_strided_slice %mul3A_47 {offsets = [0, 0, 32], sizes = [7, 64, 32], strides = [1, 1, 1]} : vector<7x64x64xf32> to vector<7x64x32xf32>
    %broadcast_in_dim3A_60 = vector.shape_cast %mul3A_47 : vector<7x64x64xf32> to vector<7x64x1x64xf32>
    %broadcast_in_dim3A_61 = vector.shape_cast %slice3A_59 : vector<7x64x32xf32> to vector<7x64x32x1xf32>
    %gt3A_62 = vector.broadcast %broadcast_in_dim3A_60 : vector<7x64x1x64xf32> to vector<7x64x32x64xf32>
    %gt3A_63 = vector.broadcast %broadcast_in_dim3A_61 : vector<7x64x32x1xf32> to vector<7x64x32x64xf32>
    %gt3A_64 = arith.cmpf ogt, %gt3A_62, %gt3A_63 : vector<7x64x32x64xf32>
    %convert_element_type3A_65 = arith.extui %gt3A_64 : vector<7x64x32x64xi1> to vector<7x64x32x64xi32>
    %convert_element_type3A_66 = arith.sitofp %convert_element_type3A_65 : vector<7x64x32x64xi32> to vector<7x64x32x64xf32>
    %reduce_sum3A_67 = arith.constant dense<0.000000e+00> : vector<7x64x32xf32>
    %reduce_sum3A_68 = vector.multi_reduction <add>, %convert_element_type3A_66, %reduce_sum3A_67 [3] : vector<7x64x32x64xf32> to vector<7x64x32xf32>
    %concatenate3A = tpu.concatenate %reduce_sum3A_58, %reduce_sum3A_68 in 2 : vector<7x64x32xf32>, vector<7x64x32xf32> -> vector<7x64x64xf32>
    %broadcast_in_dim3A_69 = arith.constant 0.000000e+00 : f32
    %broadcast_in_dim3A_70 = vector.broadcast %broadcast_in_dim3A_69 : f32 to vector<7x64x64xf32>
    %lt3A = arith.constant 3.200000e+01 : f32
    %lt3A_71 = vector.broadcast %lt3A : f32 to vector<7x64x64xf32>
    %lt3A_72 = arith.cmpf olt, %concatenate3A, %lt3A_71 : vector<7x64x64xf32>
    %convert_element_type3A_73 = arith.extui %lt3A_72 : vector<7x64x64xi1> to vector<7x64x64xi32>
    %convert_element_type3A_74 = arith.sitofp %convert_element_type3A_73 : vector<7x64x64xi32> to vector<7x64x64xf32>
    %mul3A_75 = arith.mulf %exp3A, %convert_element_type3A_74 : vector<7x64x64xf32>
    %reduce_sum3A_76 = arith.constant dense<0.000000e+00> : vector<7x64xf32>
    %reduce_sum3A_77 = vector.multi_reduction <add>, %mul3A_75, %reduce_sum3A_76 [2] : vector<7x64x64xf32> to vector<7x64xf32>
    %broadcast_in_dim3A_78 = vector.shape_cast %reduce_sum3A_77 : vector<7x64xf32> to vector<7x64x1xf32>
    %div3A_79 = vector.broadcast %get3A_0 : f32 to vector<7x64x1xf32>
    %div3A_80 = arith.divf %div3A_79, %broadcast_in_dim3A_78 : vector<7x64x1xf32>
    %mul3A_81 = vector.broadcast %div3A_80 : vector<7x64x1xf32> to vector<7x64x64xf32>
    %mul3A_82 = arith.mulf %convert_element_type3A_74, %mul3A_81 : vector<7x64x64xf32>
    %add3A = arith.addf %broadcast_in_dim3A_70, %mul3A_82 : vector<7x64x64xf32>
    %lt3A_83 = arith.constant 4.200000e+01 : f32
    %lt3A_84 = vector.broadcast %lt3A_83 : f32 to vector<7x64x64xf32>
    %lt3A_85 = arith.cmpf olt, %concatenate3A, %lt3A_84 : vector<7x64x64xf32>
    %convert_element_type3A_86 = arith.extui %lt3A_85 : vector<7x64x64xi1> to vector<7x64x64xi32>
    %convert_element_type3A_87 = arith.sitofp %convert_element_type3A_86 : vector<7x64x64xi32> to vector<7x64x64xf32>
    %mul3A_88 = arith.mulf %exp3A, %convert_element_type3A_87 : vector<7x64x64xf32>
    %reduce_sum3A_89 = arith.constant dense<0.000000e+00> : vector<7x64xf32>
    %reduce_sum3A_90 = vector.multi_reduction <add>, %mul3A_88, %reduce_sum3A_89 [2] : vector<7x64x64xf32> to vector<7x64xf32>
    %broadcast_in_dim3A_91 = vector.shape_cast %reduce_sum3A_90 : vector<7x64xf32> to vector<7x64x1xf32>
    %div3A_92 = vector.broadcast %get3A_2 : f32 to vector<7x64x1xf32>
    %div3A_93 = arith.divf %div3A_92, %broadcast_in_dim3A_91 : vector<7x64x1xf32>
    %mul3A_94 = vector.broadcast %div3A_93 : vector<7x64x1xf32> to vector<7x64x64xf32>
    %mul3A_95 = arith.mulf %convert_element_type3A_87, %mul3A_94 : vector<7x64x64xf32>
    %add3A_96 = arith.addf %add3A, %mul3A_95 : vector<7x64x64xf32>
    %lt3A_97 = arith.constant 4.800000e+01 : f32
    %lt3A_98 = vector.broadcast %lt3A_97 : f32 to vector<7x64x64xf32>
    %lt3A_99 = arith.cmpf olt, %concatenate3A, %lt3A_98 : vector<7x64x64xf32>
    %convert_element_type3A_100 = arith.extui %lt3A_99 : vector<7x64x64xi1> to vector<7x64x64xi32>
    %convert_element_type3A_101 = arith.sitofp %convert_element_type3A_100 : vector<7x64x64xi32> to vector<7x64x64xf32>
    %mul3A_102 = arith.mulf %exp3A, %convert_element_type3A_101 : vector<7x64x64xf32>
    %reduce_sum3A_103 = arith.constant dense<0.000000e+00> : vector<7x64xf32>
    %reduce_sum3A_104 = vector.multi_reduction <add>, %mul3A_102, %reduce_sum3A_103 [2] : vector<7x64x64xf32> to vector<7x64xf32>
    %broadcast_in_dim3A_105 = vector.shape_cast %reduce_sum3A_104 : vector<7x64xf32> to vector<7x64x1xf32>
    %div3A_106 = vector.broadcast %get3A_4 : f32 to vector<7x64x1xf32>
    %div3A_107 = arith.divf %div3A_106, %broadcast_in_dim3A_105 : vector<7x64x1xf32>
    %mul3A_108 = vector.broadcast %div3A_107 : vector<7x64x1xf32> to vector<7x64x64xf32>
    %mul3A_109 = arith.mulf %convert_element_type3A_101, %mul3A_108 : vector<7x64x64xf32>
    %add3A_110 = arith.addf %add3A_96, %mul3A_109 : vector<7x64x64xf32>
    %lt3A_111 = arith.constant 5.100000e+01 : f32
    %lt3A_112 = vector.broadcast %lt3A_111 : f32 to vector<7x64x64xf32>
    %lt3A_113 = arith.cmpf olt, %concatenate3A, %lt3A_112 : vector<7x64x64xf32>
    %convert_element_type3A_114 = arith.extui %lt3A_113 : vector<7x64x64xi1> to vector<7x64x64xi32>
    %convert_element_type3A_115 = arith.sitofp %convert_element_type3A_114 : vector<7x64x64xi32> to vector<7x64x64xf32>
    %mul3A_116 = arith.mulf %exp3A, %convert_element_type3A_115 : vector<7x64x64xf32>
    %reduce_sum3A_117 = arith.constant dense<0.000000e+00> : vector<7x64xf32>
    %reduce_sum3A_118 = vector.multi_reduction <add>, %mul3A_116, %reduce_sum3A_117 [2] : vector<7x64x64xf32> to vector<7x64xf32>
    %broadcast_in_dim3A_119 = vector.shape_cast %reduce_sum3A_118 : vector<7x64xf32> to vector<7x64x1xf32>
    %div3A_120 = vector.broadcast %get3A_6 : f32 to vector<7x64x1xf32>
    %div3A_121 = arith.divf %div3A_120, %broadcast_in_dim3A_119 : vector<7x64x1xf32>
    %mul3A_122 = vector.broadcast %div3A_121 : vector<7x64x1xf32> to vector<7x64x64xf32>
    %mul3A_123 = arith.mulf %convert_element_type3A_115, %mul3A_122 : vector<7x64x64xf32>
    %add3A_124 = arith.addf %add3A_110, %mul3A_123 : vector<7x64x64xf32>
    %mul3A_125 = arith.mulf %exp3A, %add3A_124 : vector<7x64x64xf32>
    %convert_element_type3A_126 = arith.truncf %mul3A_125 : vector<7x64x64xf32> to vector<7x64x64xbf16>
    %convert_element_type3A_127 = arith.truncf %get3A_27 : vector<7x64x48xf32> to vector<7x64x48xbf16>
    %dot_general3A_128 = arith.constant dense<0.000000e+00> : vector<7x64x48xf32>
    %dot_general3A_129 = tpu.matmul %convert_element_type3A_126, %convert_element_type3A_127, %dot_general3A_128 {dimension_numbers = #tpu.dot_dimension_numbers<[2], [1], [1], [2], [0, 0, 0, 1, 1, 2], [0], [0]>, transpose_lhs_hint = false} : vector<7x64x64xbf16>, vector<7x64x48xbf16>, vector<7x64x48xf32> -> vector<7x64x48xf32>
    %swap3A = arith.constant 0 : index
    %swap3A_130 = arith.constant 0 : index
    %swap3A_131 = arith.constant 0 : index
    %swap3A_132 = arith.constant 0 : index
    %swap3A_133 = vector.load %arg4[%swap3A, %swap3A_130, %swap3A_131, %swap3A_132] : memref<7x4x64x48xf32, #tpu.memory_space<vmem>>, vector<7x1x64x48xf32>
    %swap3A_134 = vector.shape_cast %swap3A_133 : vector<7x1x64x48xf32> to vector<7x64x48xf32>
    %swap3A_135 = vector.shape_cast %dot_general3A_129 : vector<7x64x48xf32> to vector<7x1x64x48xf32>
    tpu.vector_store %arg4[%swap3A, %swap3A_130, %swap3A_131, %swap3A_132], %swap3A_135 {strides = array<i32>} : memref<7x4x64x48xf32, #tpu.memory_space<vmem>>, vector<7x1x64x48xf32>,
    %get3A_136 = arith.constant 0 : index
    %get3A_137 = arith.constant 0 : index
    %get3A_138 = arith.constant 1 : index
    %get3A_139 = arith.constant 0 : index
    %get3A_140 = arith.constant 0 : index
    %get3A_141 = vector.load %arg3[%get3A_136, %get3A_137, %get3A_138, %get3A_139, %get3A_140] : memref<3x7x4x64x48xf32, #tpu.memory_space<vmem>>, vector<1x7x1x64x48xf32>
    %get3A_142 = vector.shape_cast %get3A_141 : vector<1x7x1x64x48xf32> to vector<7x64x48xf32>
    %get3A_143 = arith.constant 1 : index
    %get3A_144 = arith.constant 0 : index
    %get3A_145 = arith.constant 1 : index
    %get3A_146 = arith.constant 0 : index
    %get3A_147 = arith.constant 0 : index
    %get3A_148 = vector.load %arg3[%get3A_143, %get3A_144, %get3A_145, %get3A_146, %get3A_147] : memref<3x7x4x64x48xf32, #tpu.memory_space<vmem>>, vector<1x7x1x64x48xf32>
    %get3A_149 = vector.shape_cast %get3A_148 : vector<1x7x1x64x48xf32> to vector<7x64x48xf32>
    %get3A_150 = arith.constant 2 : index
    %get3A_151 = arith.constant 0 : index
    %get3A_152 = arith.constant 1 : index
    %get3A_153 = arith.constant 0 : index
    %get3A_154 = arith.constant 0 : index
    %get3A_155 = vector.load %arg3[%get3A_150, %get3A_151, %get3A_152, %get3A_153, %get3A_154] : memref<3x7x4x64x48xf32, #tpu.memory_space<vmem>>, vector<1x7x1x64x48xf32>
    %get3A_156 = vector.shape_cast %get3A_155 : vector<1x7x1x64x48xf32> to vector<7x64x48xf32>
    %get3A_157 = arith.constant 1 : index
    %get3A_158 = memref.load %arg1[%get3A_157] : memref<4xf32, #tpu.memory_space<smem>>
    %mul3A_159 = arith.mulf %get3A_142, %get3A_142 : vector<7x64x48xf32>
    %reduce_sum3A_160 = arith.constant dense<0.000000e+00> : vector<7x64xf32>
    %reduce_sum3A_161 = vector.multi_reduction <add>, %mul3A_159, %reduce_sum3A_160 [2] : vector<7x64x48xf32> to vector<7x64xf32>
    %broadcast_in_dim3A_162 = vector.shape_cast %reduce_sum3A_161 : vector<7x64xf32> to vector<7x64x1xf32>
    %sqrt3A_163 = math.sqrt %broadcast_in_dim3A_162 : vector<7x64x1xf32>
    %max3A_164 = arith.constant 9.99999996E-13 : f32
    %max3A_165 = vector.broadcast %max3A_164 : f32 to vector<7x64x1xf32>
    %max3A_166 = arith.maximumf %sqrt3A_163, %max3A_165 : vector<7x64x1xf32>
    %div3A_167 = vector.broadcast %max3A_166 : vector<7x64x1xf32> to vector<7x64x48xf32>
    %div3A_168 = arith.divf %get3A_142, %div3A_167 : vector<7x64x48xf32>
    %convert_element_type3A_169 = arith.truncf %div3A_168 : vector<7x64x48xf32> to vector<7x64x48xbf16>
    %mul3A_170 = arith.mulf %get3A_149, %get3A_149 : vector<7x64x48xf32>
    %reduce_sum3A_171 = arith.constant dense<0.000000e+00> : vector<7x64xf32>
    %reduce_sum3A_172 = vector.multi_reduction <add>, %mul3A_170, %reduce_sum3A_171 [2] : vector<7x64x48xf32> to vector<7x64xf32>
    %broadcast_in_dim3A_173 = vector.shape_cast %reduce_sum3A_172 : vector<7x64xf32> to vector<7x64x1xf32>
    %sqrt3A_174 = math.sqrt %broadcast_in_dim3A_173 : vector<7x64x1xf32>
    %max3A_175 = arith.constant 9.99999996E-13 : f32
    %max3A_176 = vector.broadcast %max3A_175 : f32 to vector<7x64x1xf32>
    %max3A_177 = arith.maximumf %sqrt3A_174, %max3A_176 : vector<7x64x1xf32>
    %div3A_178 = vector.broadcast %max3A_177 : vector<7x64x1xf32> to vector<7x64x48xf32>
    %div3A_179 = arith.divf %get3A_149, %div3A_178 : vector<7x64x48xf32>
    %convert_element_type3A_180 = arith.truncf %div3A_179 : vector<7x64x48xf32> to vector<7x64x48xbf16>
    %dot_general3A_181 = arith.constant dense<0.000000e+00> : vector<7x64x64xf32>
    %dot_general3A_182 = tpu.matmul %convert_element_type3A_169, %convert_element_type3A_180, %dot_general3A_181 {dimension_numbers = #tpu.dot_dimension_numbers<[2], [2], [1], [1], [0, 0, 0, 1, 1, 1], [0], [0]>, transpose_lhs_hint = false} : vector<7x64x48xbf16>, vector<7x64x48xbf16>, vector<7x64x64xf32> -> vector<7x64x64xf32>
    %mul3A_183 = vector.broadcast %get3A_158 : f32 to vector<7x64x64xf32>
    %mul3A_184 = arith.mulf %dot_general3A_182, %mul3A_183 : vector<7x64x64xf32>
    %reduce_max3A_185 = arith.constant dense<0xFF800000> : vector<7x64xf32>
    %reduce_max3A_186 = vector.multi_reduction <maximumf>, %mul3A_184, %reduce_max3A_185 [2] : vector<7x64x64xf32> to vector<7x64xf32>
    %broadcast_in_dim3A_187 = vector.shape_cast %reduce_max3A_186 : vector<7x64xf32> to vector<7x64x1xf32>
    %sub3A_188 = vector.broadcast %broadcast_in_dim3A_187 : vector<7x64x1xf32> to vector<7x64x64xf32>
    %sub3A_189 = arith.subf %mul3A_184, %sub3A_188 : vector<7x64x64xf32>
    %exp3A_190 = math.exp %sub3A_189 : vector<7x64x64xf32>
    %slice3A_191 = vector.extract_strided_slice %mul3A_184 {offsets = [0, 0, 0], sizes = [7, 64, 32], strides = [1, 1, 1]} : vector<7x64x64xf32> to vector<7x64x32xf32>
    %broadcast_in_dim3A_192 = vector.shape_cast %mul3A_184 : vector<7x64x64xf32> to vector<7x64x1x64xf32>
    %broadcast_in_dim3A_193 = vector.shape_cast %slice3A_191 : vector<7x64x32xf32> to vector<7x64x32x1xf32>
    %gt3A_194 = vector.broadcast %broadcast_in_dim3A_192 : vector<7x64x1x64xf32> to vector<7x64x32x64xf32>
    %gt3A_195 = vector.broadcast %broadcast_in_dim3A_193 : vector<7x64x32x1xf32> to vector<7x64x32x64xf32>
    %gt3A_196 = arith.cmpf ogt, %gt3A_194, %gt3A_195 : vector<7x64x32x64xf32>
    %convert_element_type3A_197 = arith.extui %gt3A_196 : vector<7x64x32x64xi1> to vector<7x64x32x64xi32>
    %convert_element_type3A_198 = arith.sitofp %convert_element_type3A_197 : vector<7x64x32x64xi32> to vector<7x64x32x64xf32>
    %reduce_sum3A_199 = arith.constant dense<0.000000e+00> : vector<7x64x32xf32>
    %reduce_sum3A_200 = vector.multi_reduction <add>, %convert_element_type3A_198, %reduce_sum3A_199 [3] : vector<7x64x32x64xf32> to vector<7x64x32xf32>
    %slice3A_201 = vector.extract_strided_slice %mul3A_184 {offsets = [0, 0, 32], sizes = [7, 64, 32], strides = [1, 1, 1]} : vector<7x64x64xf32> to vector<7x64x32xf32>
    %broadcast_in_dim3A_202 = vector.shape_cast %mul3A_184 : vector<7x64x64xf32> to vector<7x64x1x64xf32>
    %broadcast_in_dim3A_203 = vector.shape_cast %slice3A_201 : vector<7x64x32xf32> to vector<7x64x32x1xf32>
    %gt3A_204 = vector.broadcast %broadcast_in_dim3A_202 : vector<7x64x1x64xf32> to vector<7x64x32x64xf32>
    %gt3A_205 = vector.broadcast %broadcast_in_dim3A_203 : vector<7x64x32x1xf32> to vector<7x64x32x64xf32>
    %gt3A_206 = arith.cmpf ogt, %gt3A_204, %gt3A_205 : vector<7x64x32x64xf32>
    %convert_element_type3A_207 = arith.extui %gt3A_206 : vector<7x64x32x64xi1> to vector<7x64x32x64xi32>
    %convert_element_type3A_208 = arith.sitofp %convert_element_type3A_207 : vector<7x64x32x64xi32> to vector<7x64x32x64xf32>
    %reduce_sum3A_209 = arith.constant dense<0.000000e+00> : vector<7x64x32xf32>
    %reduce_sum3A_210 = vector.multi_reduction <add>, %convert_element_type3A_208, %reduce_sum3A_209 [3] : vector<7x64x32x64xf32> to vector<7x64x32xf32>
    %concatenate3A_211 = tpu.concatenate %reduce_sum3A_200, %reduce_sum3A_210 in 2 : vector<7x64x32xf32>, vector<7x64x32xf32> -> vector<7x64x64xf32>
    %broadcast_in_dim3A_212 = arith.constant 0.000000e+00 : f32
    %broadcast_in_dim3A_213 = vector.broadcast %broadcast_in_dim3A_212 : f32 to vector<7x64x64xf32>
    %lt3A_214 = arith.constant 3.200000e+01 : f32
    %lt3A_215 = vector.broadcast %lt3A_214 : f32 to vector<7x64x64xf32>
    %lt3A_216 = arith.cmpf olt, %concatenate3A_211, %lt3A_215 : vector<7x64x64xf32>
    %convert_element_type3A_217 = arith.extui %lt3A_216 : vector<7x64x64xi1> to vector<7x64x64xi32>
    %convert_element_type3A_218 = arith.sitofp %convert_element_type3A_217 : vector<7x64x64xi32> to vector<7x64x64xf32>
    %mul3A_219 = arith.mulf %exp3A_190, %convert_element_type3A_218 : vector<7x64x64xf32>
    %reduce_sum3A_220 = arith.constant dense<0.000000e+00> : vector<7x64xf32>
    %reduce_sum3A_221 = vector.multi_reduction <add>, %mul3A_219, %reduce_sum3A_220 [2] : vector<7x64x64xf32> to vector<7x64xf32>
    %broadcast_in_dim3A_222 = vector.shape_cast %reduce_sum3A_221 : vector<7x64xf32> to vector<7x64x1xf32>
    %div3A_223 = vector.broadcast %get3A_0 : f32 to vector<7x64x1xf32>
    %div3A_224 = arith.divf %div3A_223, %broadcast_in_dim3A_222 : vector<7x64x1xf32>
    %mul3A_225 = vector.broadcast %div3A_224 : vector<7x64x1xf32> to vector<7x64x64xf32>
    %mul3A_226 = arith.mulf %convert_element_type3A_218, %mul3A_225 : vector<7x64x64xf32>
    %add3A_227 = arith.addf %broadcast_in_dim3A_213, %mul3A_226 : vector<7x64x64xf32>
    %lt3A_228 = arith.constant 4.200000e+01 : f32
    %lt3A_229 = vector.broadcast %lt3A_228 : f32 to vector<7x64x64xf32>
    %lt3A_230 = arith.cmpf olt, %concatenate3A_211, %lt3A_229 : vector<7x64x64xf32>
    %convert_element_type3A_231 = arith.extui %lt3A_230 : vector<7x64x64xi1> to vector<7x64x64xi32>
    %convert_element_type3A_232 = arith.sitofp %convert_element_type3A_231 : vector<7x64x64xi32> to vector<7x64x64xf32>
    %mul3A_233 = arith.mulf %exp3A_190, %convert_element_type3A_232 : vector<7x64x64xf32>
    %reduce_sum3A_234 = arith.constant dense<0.000000e+00> : vector<7x64xf32>
    %reduce_sum3A_235 = vector.multi_reduction <add>, %mul3A_233, %reduce_sum3A_234 [2] : vector<7x64x64xf32> to vector<7x64xf32>
    %broadcast_in_dim3A_236 = vector.shape_cast %reduce_sum3A_235 : vector<7x64xf32> to vector<7x64x1xf32>
    %div3A_237 = vector.broadcast %get3A_2 : f32 to vector<7x64x1xf32>
    %div3A_238 = arith.divf %div3A_237, %broadcast_in_dim3A_236 : vector<7x64x1xf32>
    %mul3A_239 = vector.broadcast %div3A_238 : vector<7x64x1xf32> to vector<7x64x64xf32>
    %mul3A_240 = arith.mulf %convert_element_type3A_232, %mul3A_239 : vector<7x64x64xf32>
    %add3A_241 = arith.addf %add3A_227, %mul3A_240 : vector<7x64x64xf32>
    %lt3A_242 = arith.constant 4.800000e+01 : f32
    %lt3A_243 = vector.broadcast %lt3A_242 : f32 to vector<7x64x64xf32>
    %lt3A_244 = arith.cmpf olt, %concatenate3A_211, %lt3A_243 : vector<7x64x64xf32>
    %convert_element_type3A_245 = arith.extui %lt3A_244 : vector<7x64x64xi1> to vector<7x64x64xi32>
    %convert_element_type3A_246 = arith.sitofp %convert_element_type3A_245 : vector<7x64x64xi32> to vector<7x64x64xf32>
    %mul3A_247 = arith.mulf %exp3A_190, %convert_element_type3A_246 : vector<7x64x64xf32>
    %reduce_sum3A_248 = arith.constant dense<0.000000e+00> : vector<7x64xf32>
    %reduce_sum3A_249 = vector.multi_reduction <add>, %mul3A_247, %reduce_sum3A_248 [2] : vector<7x64x64xf32> to vector<7x64xf32>
    %broadcast_in_dim3A_250 = vector.shape_cast %reduce_sum3A_249 : vector<7x64xf32> to vector<7x64x1xf32>
    %div3A_251 = vector.broadcast %get3A_4 : f32 to vector<7x64x1xf32>
    %div3A_252 = arith.divf %div3A_251, %broadcast_in_dim3A_250 : vector<7x64x1xf32>
    %mul3A_253 = vector.broadcast %div3A_252 : vector<7x64x1xf32> to vector<7x64x64xf32>
    %mul3A_254 = arith.mulf %convert_element_type3A_246, %mul3A_253 : vector<7x64x64xf32>
    %add3A_255 = arith.addf %add3A_241, %mul3A_254 : vector<7x64x64xf32>
    %lt3A_256 = arith.constant 5.100000e+01 : f32
    %lt3A_257 = vector.broadcast %lt3A_256 : f32 to vector<7x64x64xf32>
    %lt3A_258 = arith.cmpf olt, %concatenate3A_211, %lt3A_257 : vector<7x64x64xf32>
    %convert_element_type3A_259 = arith.extui %lt3A_258 : vector<7x64x64xi1> to vector<7x64x64xi32>
    %convert_element_type3A_260 = arith.sitofp %convert_element_type3A_259 : vector<7x64x64xi32> to vector<7x64x64xf32>
    %mul3A_261 = arith.mulf %exp3A_190, %convert_element_type3A_260 : vector<7x64x64xf32>
    %reduce_sum3A_262 = arith.constant dense<0.000000e+00> : vector<7x64xf32>
    %reduce_sum3A_263 = vector.multi_reduction <add>, %mul3A_261, %reduce_sum3A_262 [2] : vector<7x64x64xf32> to vector<7x64xf32>
    %broadcast_in_dim3A_264 = vector.shape_cast %reduce_sum3A_263 : vector<7x64xf32> to vector<7x64x1xf32>
    %div3A_265 = vector.broadcast %get3A_6 : f32 to vector<7x64x1xf32>
    %div3A_266 = arith.divf %div3A_265, %broadcast_in_dim3A_264 : vector<7x64x1xf32>
    %mul3A_267 = vector.broadcast %div3A_266 : vector<7x64x1xf32> to vector<7x64x64xf32>
    %mul3A_268 = arith.mulf %convert_element_type3A_260, %mul3A_267 : vector<7x64x64xf32>
    %add3A_269 = arith.addf %add3A_255, %mul3A_268 : vector<7x64x64xf32>
    %mul3A_270 = arith.mulf %exp3A_190, %add3A_269 : vector<7x64x64xf32>
    %convert_element_type3A_271 = arith.truncf %mul3A_270 : vector<7x64x64xf32> to vector<7x64x64xbf16>
    %convert_element_type3A_272 = arith.truncf %get3A_156 : vector<7x64x48xf32> to vector<7x64x48xbf16>
    %dot_general3A_273 = arith.constant dense<0.000000e+00> : vector<7x64x48xf32>
    %dot_general3A_274 = tpu.matmul %convert_element_type3A_271, %convert_element_type3A_272, %dot_general3A_273 {dimension_numbers = #tpu.dot_dimension_numbers<[2], [1], [1], [2], [0, 0, 0, 1, 1, 2], [0], [0]>, transpose_lhs_hint = false} : vector<7x64x64xbf16>, vector<7x64x48xbf16>, vector<7x64x48xf32> -> vector<7x64x48xf32>
    %swap3A_275 = arith.constant 0 : index
    %swap3A_276 = arith.constant 1 : index
    %swap3A_277 = arith.constant 0 : index
    %swap3A_278 = arith.constant 0 : index
    %swap3A_279 = vector.load %arg4[%swap3A_275, %swap3A_276, %swap3A_277, %swap3A_278] : memref<7x4x64x48xf32, #tpu.memory_space<vmem>>, vector<7x1x64x48xf32>
    %swap3A_280 = vector.shape_cast %swap3A_279 : vector<7x1x64x48xf32> to vector<7x64x48xf32>
    %swap3A_281 = vector.shape_cast %dot_general3A_274 : vector<7x64x48xf32> to vector<7x1x64x48xf32>
    tpu.vector_store %arg4[%swap3A_275, %swap3A_276, %swap3A_277, %swap3A_278], %swap3A_281 {strides = array<i32>} : memref<7x4x64x48xf32, #tpu.memory_space<vmem>>, vector<7x1x64x48xf32>,
    %get3A_282 = arith.constant 0 : index
    %get3A_283 = arith.constant 0 : index
    %get3A_284 = arith.constant 2 : index
    %get3A_285 = arith.constant 0 : index
    %get3A_286 = arith.constant 0 : index
    %get3A_287 = vector.load %arg3[%get3A_282, %get3A_283, %get3A_284, %get3A_285, %get3A_286] : memref<3x7x4x64x48xf32, #tpu.memory_space<vmem>>, vector<1x7x1x64x48xf32>
    %get3A_288 = vector.shape_cast %get3A_287 : vector<1x7x1x64x48xf32> to vector<7x64x48xf32>
    %get3A_289 = arith.constant 1 : index
    %get3A_290 = arith.constant 0 : index
    %get3A_291 = arith.constant 2 : index
    %get3A_292 = arith.constant 0 : index
    %get3A_293 = arith.constant 0 : index
    %get3A_294 = vector.load %arg3[%get3A_289, %get3A_290, %get3A_291, %get3A_292, %get3A_293] : memref<3x7x4x64x48xf32, #tpu.memory_space<vmem>>, vector<1x7x1x64x48xf32>
    %get3A_295 = vector.shape_cast %get3A_294 : vector<1x7x1x64x48xf32> to vector<7x64x48xf32>
    %get3A_296 = arith.constant 2 : index
    %get3A_297 = arith.constant 0 : index
    %get3A_298 = arith.constant 2 : index
    %get3A_299 = arith.constant 0 : index
    %get3A_300 = arith.constant 0 : index
    %get3A_301 = vector.load %arg3[%get3A_296, %get3A_297, %get3A_298, %get3A_299, %get3A_300] : memref<3x7x4x64x48xf32, #tpu.memory_space<vmem>>, vector<1x7x1x64x48xf32>
    %get3A_302 = vector.shape_cast %get3A_301 : vector<1x7x1x64x48xf32> to vector<7x64x48xf32>
    %get3A_303 = arith.constant 2 : index
    %get3A_304 = memref.load %arg1[%get3A_303] : memref<4xf32, #tpu.memory_space<smem>>
    %mul3A_305 = arith.mulf %get3A_288, %get3A_288 : vector<7x64x48xf32>
    %reduce_sum3A_306 = arith.constant dense<0.000000e+00> : vector<7x64xf32>
    %reduce_sum3A_307 = vector.multi_reduction <add>, %mul3A_305, %reduce_sum3A_306 [2] : vector<7x64x48xf32> to vector<7x64xf32>
    %broadcast_in_dim3A_308 = vector.shape_cast %reduce_sum3A_307 : vector<7x64xf32> to vector<7x64x1xf32>
    %sqrt3A_309 = math.sqrt %broadcast_in_dim3A_308 : vector<7x64x1xf32>
    %max3A_310 = arith.constant 9.99999996E-13 : f32
    %max3A_311 = vector.broadcast %max3A_310 : f32 to vector<7x64x1xf32>
    %max3A_312 = arith.maximumf %sqrt3A_309, %max3A_311 : vector<7x64x1xf32>
    %div3A_313 = vector.broadcast %max3A_312 : vector<7x64x1xf32> to vector<7x64x48xf32>
    %div3A_314 = arith.divf %get3A_288, %div3A_313 : vector<7x64x48xf32>
    %convert_element_type3A_315 = arith.truncf %div3A_314 : vector<7x64x48xf32> to vector<7x64x48xbf16>
    %mul3A_316 = arith.mulf %get3A_295, %get3A_295 : vector<7x64x48xf32>
    %reduce_sum3A_317 = arith.constant dense<0.000000e+00> : vector<7x64xf32>
    %reduce_sum3A_318 = vector.multi_reduction <add>, %mul3A_316, %reduce_sum3A_317 [2] : vector<7x64x48xf32> to vector<7x64xf32>
    %broadcast_in_dim3A_319 = vector.shape_cast %reduce_sum3A_318 : vector<7x64xf32> to vector<7x64x1xf32>
    %sqrt3A_320 = math.sqrt %broadcast_in_dim3A_319 : vector<7x64x1xf32>
    %max3A_321 = arith.constant 9.99999996E-13 : f32
    %max3A_322 = vector.broadcast %max3A_321 : f32 to vector<7x64x1xf32>
    %max3A_323 = arith.maximumf %sqrt3A_320, %max3A_322 : vector<7x64x1xf32>
    %div3A_324 = vector.broadcast %max3A_323 : vector<7x64x1xf32> to vector<7x64x48xf32>
    %div3A_325 = arith.divf %get3A_295, %div3A_324 : vector<7x64x48xf32>
    %convert_element_type3A_326 = arith.truncf %div3A_325 : vector<7x64x48xf32> to vector<7x64x48xbf16>
    %dot_general3A_327 = arith.constant dense<0.000000e+00> : vector<7x64x64xf32>
    %dot_general3A_328 = tpu.matmul %convert_element_type3A_315, %convert_element_type3A_326, %dot_general3A_327 {dimension_numbers = #tpu.dot_dimension_numbers<[2], [2], [1], [1], [0, 0, 0, 1, 1, 1], [0], [0]>, transpose_lhs_hint = false} : vector<7x64x48xbf16>, vector<7x64x48xbf16>, vector<7x64x64xf32> -> vector<7x64x64xf32>
    %mul3A_329 = vector.broadcast %get3A_304 : f32 to vector<7x64x64xf32>
    %mul3A_330 = arith.mulf %dot_general3A_328, %mul3A_329 : vector<7x64x64xf32>
    %reduce_max3A_331 = arith.constant dense<0xFF800000> : vector<7x64xf32>
    %reduce_max3A_332 = vector.multi_reduction <maximumf>, %mul3A_330, %reduce_max3A_331 [2] : vector<7x64x64xf32> to vector<7x64xf32>
    %broadcast_in_dim3A_333 = vector.shape_cast %reduce_max3A_332 : vector<7x64xf32> to vector<7x64x1xf32>
    %sub3A_334 = vector.broadcast %broadcast_in_dim3A_333 : vector<7x64x1xf32> to vector<7x64x64xf32>
    %sub3A_335 = arith.subf %mul3A_330, %sub3A_334 : vector<7x64x64xf32>
    %exp3A_336 = math.exp %sub3A_335 : vector<7x64x64xf32>
    %slice3A_337 = vector.extract_strided_slice %mul3A_330 {offsets = [0, 0, 0], sizes = [7, 64, 32], strides = [1, 1, 1]} : vector<7x64x64xf32> to vector<7x64x32xf32>
    %broadcast_in_dim3A_338 = vector.shape_cast %mul3A_330 : vector<7x64x64xf32> to vector<7x64x1x64xf32>
    %broadcast_in_dim3A_339 = vector.shape_cast %slice3A_337 : vector<7x64x32xf32> to vector<7x64x32x1xf32>
    %gt3A_340 = vector.broadcast %broadcast_in_dim3A_338 : vector<7x64x1x64xf32> to vector<7x64x32x64xf32>
    %gt3A_341 = vector.broadcast %broadcast_in_dim3A_339 : vector<7x64x32x1xf32> to vector<7x64x32x64xf32>
    %gt3A_342 = arith.cmpf ogt, %gt3A_340, %gt3A_341 : vector<7x64x32x64xf32>
    %convert_element_type3A_343 = arith.extui %gt3A_342 : vector<7x64x32x64xi1> to vector<7x64x32x64xi32>
    %convert_element_type3A_344 = arith.sitofp %convert_element_type3A_343 : vector<7x64x32x64xi32> to vector<7x64x32x64xf32>
    %reduce_sum3A_345 = arith.constant dense<0.000000e+00> : vector<7x64x32xf32>
    %reduce_sum3A_346 = vector.multi_reduction <add>, %convert_element_type3A_344, %reduce_sum3A_345 [3] : vector<7x64x32x64xf32> to vector<7x64x32xf32>
    %slice3A_347 = vector.extract_strided_slice %mul3A_330 {offsets = [0, 0, 32], sizes = [7, 64, 32], strides = [1, 1, 1]} : vector<7x64x64xf32> to vector<7x64x32xf32>
    %broadcast_in_dim3A_348 = vector.shape_cast %mul3A_330 : vector<7x64x64xf32> to vector<7x64x1x64xf32>
    %broadcast_in_dim3A_349 = vector.shape_cast %slice3A_347 : vector<7x64x32xf32> to vector<7x64x32x1xf32>
    %gt3A_350 = vector.broadcast %broadcast_in_dim3A_348 : vector<7x64x1x64xf32> to vector<7x64x32x64xf32>
    %gt3A_351 = vector.broadcast %broadcast_in_dim3A_349 : vector<7x64x32x1xf32> to vector<7x64x32x64xf32>
    %gt3A_352 = arith.cmpf ogt, %gt3A_350, %gt3A_351 : vector<7x64x32x64xf32>
    %convert_element_type3A_353 = arith.extui %gt3A_352 : vector<7x64x32x64xi1> to vector<7x64x32x64xi32>
    %convert_element_type3A_354 = arith.sitofp %convert_element_type3A_353 : vector<7x64x32x64xi32> to vector<7x64x32x64xf32>
    %reduce_sum3A_355 = arith.constant dense<0.000000e+00> : vector<7x64x32xf32>
    %reduce_sum3A_356 = vector.multi_reduction <add>, %convert_element_type3A_354, %reduce_sum3A_355 [3] : vector<7x64x32x64xf32> to vector<7x64x32xf32>
    %concatenate3A_357 = tpu.concatenate %reduce_sum3A_346, %reduce_sum3A_356 in 2 : vector<7x64x32xf32>, vector<7x64x32xf32> -> vector<7x64x64xf32>
    %broadcast_in_dim3A_358 = arith.constant 0.000000e+00 : f32
    %broadcast_in_dim3A_359 = vector.broadcast %broadcast_in_dim3A_358 : f32 to vector<7x64x64xf32>
    %lt3A_360 = arith.constant 3.200000e+01 : f32
    %lt3A_361 = vector.broadcast %lt3A_360 : f32 to vector<7x64x64xf32>
    %lt3A_362 = arith.cmpf olt, %concatenate3A_357, %lt3A_361 : vector<7x64x64xf32>
    %convert_element_type3A_363 = arith.extui %lt3A_362 : vector<7x64x64xi1> to vector<7x64x64xi32>
    %convert_element_type3A_364 = arith.sitofp %convert_element_type3A_363 : vector<7x64x64xi32> to vector<7x64x64xf32>
    %mul3A_365 = arith.mulf %exp3A_336, %convert_element_type3A_364 : vector<7x64x64xf32>
    %reduce_sum3A_366 = arith.constant dense<0.000000e+00> : vector<7x64xf32>
    %reduce_sum3A_367 = vector.multi_reduction <add>, %mul3A_365, %reduce_sum3A_366 [2] : vector<7x64x64xf32> to vector<7x64xf32>
    %broadcast_in_dim3A_368 = vector.shape_cast %reduce_sum3A_367 : vector<7x64xf32> to vector<7x64x1xf32>
    %div3A_369 = vector.broadcast %get3A_0 : f32 to vector<7x64x1xf32>
    %div3A_370 = arith.divf %div3A_369, %broadcast_in_dim3A_368 : vector<7x64x1xf32>
    %mul3A_371 = vector.broadcast %div3A_370 : vector<7x64x1xf32> to vector<7x64x64xf32>
    %mul3A_372 = arith.mulf %convert_element_type3A_364, %mul3A_371 : vector<7x64x64xf32>
    %add3A_373 = arith.addf %broadcast_in_dim3A_359, %mul3A_372 : vector<7x64x64xf32>
    %lt3A_374 = arith.constant 4.200000e+01 : f32
    %lt3A_375 = vector.broadcast %lt3A_374 : f32 to vector<7x64x64xf32>
    %lt3A_376 = arith.cmpf olt, %concatenate3A_357, %lt3A_375 : vector<7x64x64xf32>
    %convert_element_type3A_377 = arith.extui %lt3A_376 : vector<7x64x64xi1> to vector<7x64x64xi32>
    %convert_element_type3A_378 = arith.sitofp %convert_element_type3A_377 : vector<7x64x64xi32> to vector<7x64x64xf32>
    %mul3A_379 = arith.mulf %exp3A_336, %convert_element_type3A_378 : vector<7x64x64xf32>
    %reduce_sum3A_380 = arith.constant dense<0.000000e+00> : vector<7x64xf32>
    %reduce_sum3A_381 = vector.multi_reduction <add>, %mul3A_379, %reduce_sum3A_380 [2] : vector<7x64x64xf32> to vector<7x64xf32>
    %broadcast_in_dim3A_382 = vector.shape_cast %reduce_sum3A_381 : vector<7x64xf32> to vector<7x64x1xf32>
    %div3A_383 = vector.broadcast %get3A_2 : f32 to vector<7x64x1xf32>
    %div3A_384 = arith.divf %div3A_383, %broadcast_in_dim3A_382 : vector<7x64x1xf32>
    %mul3A_385 = vector.broadcast %div3A_384 : vector<7x64x1xf32> to vector<7x64x64xf32>
    %mul3A_386 = arith.mulf %convert_element_type3A_378, %mul3A_385 : vector<7x64x64xf32>
    %add3A_387 = arith.addf %add3A_373, %mul3A_386 : vector<7x64x64xf32>
    %lt3A_388 = arith.constant 4.800000e+01 : f32
    %lt3A_389 = vector.broadcast %lt3A_388 : f32 to vector<7x64x64xf32>
    %lt3A_390 = arith.cmpf olt, %concatenate3A_357, %lt3A_389 : vector<7x64x64xf32>
    %convert_element_type3A_391 = arith.extui %lt3A_390 : vector<7x64x64xi1> to vector<7x64x64xi32>
    %convert_element_type3A_392 = arith.sitofp %convert_element_type3A_391 : vector<7x64x64xi32> to vector<7x64x64xf32>
    %mul3A_393 = arith.mulf %exp3A_336, %convert_element_type3A_392 : vector<7x64x64xf32>
    %reduce_sum3A_394 = arith.constant dense<0.000000e+00> : vector<7x64xf32>
    %reduce_sum3A_395 = vector.multi_reduction <add>, %mul3A_393, %reduce_sum3A_394 [2] : vector<7x64x64xf32> to vector<7x64xf32>
    %broadcast_in_dim3A_396 = vector.shape_cast %reduce_sum3A_395 : vector<7x64xf32> to vector<7x64x1xf32>
    %div3A_397 = vector.broadcast %get3A_4 : f32 to vector<7x64x1xf32>
    %div3A_398 = arith.divf %div3A_397, %broadcast_in_dim3A_396 : vector<7x64x1xf32>
    %mul3A_399 = vector.broadcast %div3A_398 : vector<7x64x1xf32> to vector<7x64x64xf32>
    %mul3A_400 = arith.mulf %convert_element_type3A_392, %mul3A_399 : vector<7x64x64xf32>
    %add3A_401 = arith.addf %add3A_387, %mul3A_400 : vector<7x64x64xf32>
    %lt3A_402 = arith.constant 5.100000e+01 : f32
    %lt3A_403 = vector.broadcast %lt3A_402 : f32 to vector<7x64x64xf32>
    %lt3A_404 = arith.cmpf olt, %concatenate3A_357, %lt3A_403 : vector<7x64x64xf32>
    %convert_element_type3A_405 = arith.extui %lt3A_404 : vector<7x64x64xi1> to vector<7x64x64xi32>
    %convert_element_type3A_406 = arith.sitofp %convert_element_type3A_405 : vector<7x64x64xi32> to vector<7x64x64xf32>
    %mul3A_407 = arith.mulf %exp3A_336, %convert_element_type3A_406 : vector<7x64x64xf32>
    %reduce_sum3A_408 = arith.constant dense<0.000000e+00> : vector<7x64xf32>
    %reduce_sum3A_409 = vector.multi_reduction <add>, %mul3A_407, %reduce_sum3A_408 [2] : vector<7x64x64xf32> to vector<7x64xf32>
    %broadcast_in_dim3A_410 = vector.shape_cast %reduce_sum3A_409 : vector<7x64xf32> to vector<7x64x1xf32>
    %div3A_411 = vector.broadcast %get3A_6 : f32 to vector<7x64x1xf32>
    %div3A_412 = arith.divf %div3A_411, %broadcast_in_dim3A_410 : vector<7x64x1xf32>
    %mul3A_413 = vector.broadcast %div3A_412 : vector<7x64x1xf32> to vector<7x64x64xf32>
    %mul3A_414 = arith.mulf %convert_element_type3A_406, %mul3A_413 : vector<7x64x64xf32>
    %add3A_415 = arith.addf %add3A_401, %mul3A_414 : vector<7x64x64xf32>
    %mul3A_416 = arith.mulf %exp3A_336, %add3A_415 : vector<7x64x64xf32>
    %convert_element_type3A_417 = arith.truncf %mul3A_416 : vector<7x64x64xf32> to vector<7x64x64xbf16>
    %convert_element_type3A_418 = arith.truncf %get3A_302 : vector<7x64x48xf32> to vector<7x64x48xbf16>
    %dot_general3A_419 = arith.constant dense<0.000000e+00> : vector<7x64x48xf32>
    %dot_general3A_420 = tpu.matmul %convert_element_type3A_417, %convert_element_type3A_418, %dot_general3A_419 {dimension_numbers = #tpu.dot_dimension_numbers<[2], [1], [1], [2], [0, 0, 0, 1, 1, 2], [0], [0]>, transpose_lhs_hint = false} : vector<7x64x64xbf16>, vector<7x64x48xbf16>, vector<7x64x48xf32> -> vector<7x64x48xf32>
    %swap3A_421 = arith.constant 0 : index
    %swap3A_422 = arith.constant 2 : index
    %swap3A_423 = arith.constant 0 : index
    %swap3A_424 = arith.constant 0 : index
    %swap3A_425 = vector.load %arg4[%swap3A_421, %swap3A_422, %swap3A_423, %swap3A_424] : memref<7x4x64x48xf32, #tpu.memory_space<vmem>>, vector<7x1x64x48xf32>
    %swap3A_426 = vector.shape_cast %swap3A_425 : vector<7x1x64x48xf32> to vector<7x64x48xf32>
    %swap3A_427 = vector.shape_cast %dot_general3A_420 : vector<7x64x48xf32> to vector<7x1x64x48xf32>
    tpu.vector_store %arg4[%swap3A_421, %swap3A_422, %swap3A_423, %swap3A_424], %swap3A_427 {strides = array<i32>} : memref<7x4x64x48xf32, #tpu.memory_space<vmem>>, vector<7x1x64x48xf32>,
    %get3A_428 = arith.constant 0 : index
    %get3A_429 = arith.constant 0 : index
    %get3A_430 = arith.constant 3 : index
    %get3A_431 = arith.constant 0 : index
    %get3A_432 = arith.constant 0 : index
    %get3A_433 = vector.load %arg3[%get3A_428, %get3A_429, %get3A_430, %get3A_431, %get3A_432] : memref<3x7x4x64x48xf32, #tpu.memory_space<vmem>>, vector<1x7x1x64x48xf32>
    %get3A_434 = vector.shape_cast %get3A_433 : vector<1x7x1x64x48xf32> to vector<7x64x48xf32>
    %get3A_435 = arith.constant 1 : index
    %get3A_436 = arith.constant 0 : index
    %get3A_437 = arith.constant 3 : index
    %get3A_438 = arith.constant 0 : index
    %get3A_439 = arith.constant 0 : index
    %get3A_440 = vector.load %arg3[%get3A_435, %get3A_436, %get3A_437, %get3A_438, %get3A_439] : memref<3x7x4x64x48xf32, #tpu.memory_space<vmem>>, vector<1x7x1x64x48xf32>
    %get3A_441 = vector.shape_cast %get3A_440 : vector<1x7x1x64x48xf32> to vector<7x64x48xf32>
    %get3A_442 = arith.constant 2 : index
    %get3A_443 = arith.constant 0 : index
    %get3A_444 = arith.constant 3 : index
    %get3A_445 = arith.constant 0 : index
    %get3A_446 = arith.constant 0 : index
    %get3A_447 = vector.load %arg3[%get3A_442, %get3A_443, %get3A_444, %get3A_445, %get3A_446] : memref<3x7x4x64x48xf32, #tpu.memory_space<vmem>>, vector<1x7x1x64x48xf32>
    %get3A_448 = vector.shape_cast %get3A_447 : vector<1x7x1x64x48xf32> to vector<7x64x48xf32>
    %get3A_449 = arith.constant 3 : index
    %get3A_450 = memref.load %arg1[%get3A_449] : memref<4xf32, #tpu.memory_space<smem>>
    %mul3A_451 = arith.mulf %get3A_434, %get3A_434 : vector<7x64x48xf32>
    %reduce_sum3A_452 = arith.constant dense<0.000000e+00> : vector<7x64xf32>
    %reduce_sum3A_453 = vector.multi_reduction <add>, %mul3A_451, %reduce_sum3A_452 [2] : vector<7x64x48xf32> to vector<7x64xf32>
    %broadcast_in_dim3A_454 = vector.shape_cast %reduce_sum3A_453 : vector<7x64xf32> to vector<7x64x1xf32>
    %sqrt3A_455 = math.sqrt %broadcast_in_dim3A_454 : vector<7x64x1xf32>
    %max3A_456 = arith.constant 9.99999996E-13 : f32
    %max3A_457 = vector.broadcast %max3A_456 : f32 to vector<7x64x1xf32>
    %max3A_458 = arith.maximumf %sqrt3A_455, %max3A_457 : vector<7x64x1xf32>
    %div3A_459 = vector.broadcast %max3A_458 : vector<7x64x1xf32> to vector<7x64x48xf32>
    %div3A_460 = arith.divf %get3A_434, %div3A_459 : vector<7x64x48xf32>
    %convert_element_type3A_461 = arith.truncf %div3A_460 : vector<7x64x48xf32> to vector<7x64x48xbf16>
    %mul3A_462 = arith.mulf %get3A_441, %get3A_441 : vector<7x64x48xf32>
    %reduce_sum3A_463 = arith.constant dense<0.000000e+00> : vector<7x64xf32>
    %reduce_sum3A_464 = vector.multi_reduction <add>, %mul3A_462, %reduce_sum3A_463 [2] : vector<7x64x48xf32> to vector<7x64xf32>
    %broadcast_in_dim3A_465 = vector.shape_cast %reduce_sum3A_464 : vector<7x64xf32> to vector<7x64x1xf32>
    %sqrt3A_466 = math.sqrt %broadcast_in_dim3A_465 : vector<7x64x1xf32>
    %max3A_467 = arith.constant 9.99999996E-13 : f32
    %max3A_468 = vector.broadcast %max3A_467 : f32 to vector<7x64x1xf32>
    %max3A_469 = arith.maximumf %sqrt3A_466, %max3A_468 : vector<7x64x1xf32>
    %div3A_470 = vector.broadcast %max3A_469 : vector<7x64x1xf32> to vector<7x64x48xf32>
    %div3A_471 = arith.divf %get3A_441, %div3A_470 : vector<7x64x48xf32>
    %convert_element_type3A_472 = arith.truncf %div3A_471 : vector<7x64x48xf32> to vector<7x64x48xbf16>
    %dot_general3A_473 = arith.constant dense<0.000000e+00> : vector<7x64x64xf32>
    %dot_general3A_474 = tpu.matmul %convert_element_type3A_461, %convert_element_type3A_472, %dot_general3A_473 {dimension_numbers = #tpu.dot_dimension_numbers<[2], [2], [1], [1], [0, 0, 0, 1, 1, 1], [0], [0]>, transpose_lhs_hint = false} : vector<7x64x48xbf16>, vector<7x64x48xbf16>, vector<7x64x64xf32> -> vector<7x64x64xf32>
    %mul3A_475 = vector.broadcast %get3A_450 : f32 to vector<7x64x64xf32>
    %mul3A_476 = arith.mulf %dot_general3A_474, %mul3A_475 : vector<7x64x64xf32>
    %reduce_max3A_477 = arith.constant dense<0xFF800000> : vector<7x64xf32>
    %reduce_max3A_478 = vector.multi_reduction <maximumf>, %mul3A_476, %reduce_max3A_477 [2] : vector<7x64x64xf32> to vector<7x64xf32>
    %broadcast_in_dim3A_479 = vector.shape_cast %reduce_max3A_478 : vector<7x64xf32> to vector<7x64x1xf32>
    %sub3A_480 = vector.broadcast %broadcast_in_dim3A_479 : vector<7x64x1xf32> to vector<7x64x64xf32>
    %sub3A_481 = arith.subf %mul3A_476, %sub3A_480 : vector<7x64x64xf32>
    %exp3A_482 = math.exp %sub3A_481 : vector<7x64x64xf32>
    %slice3A_483 = vector.extract_strided_slice %mul3A_476 {offsets = [0, 0, 0], sizes = [7, 64, 32], strides = [1, 1, 1]} : vector<7x64x64xf32> to vector<7x64x32xf32>
    %broadcast_in_dim3A_484 = vector.shape_cast %mul3A_476 : vector<7x64x64xf32> to vector<7x64x1x64xf32>
    %broadcast_in_dim3A_485 = vector.shape_cast %slice3A_483 : vector<7x64x32xf32> to vector<7x64x32x1xf32>
    %gt3A_486 = vector.broadcast %broadcast_in_dim3A_484 : vector<7x64x1x64xf32> to vector<7x64x32x64xf32>
    %gt3A_487 = vector.broadcast %broadcast_in_dim3A_485 : vector<7x64x32x1xf32> to vector<7x64x32x64xf32>
    %gt3A_488 = arith.cmpf ogt, %gt3A_486, %gt3A_487 : vector<7x64x32x64xf32>
    %convert_element_type3A_489 = arith.extui %gt3A_488 : vector<7x64x32x64xi1> to vector<7x64x32x64xi32>
    %convert_element_type3A_490 = arith.sitofp %convert_element_type3A_489 : vector<7x64x32x64xi32> to vector<7x64x32x64xf32>
    %reduce_sum3A_491 = arith.constant dense<0.000000e+00> : vector<7x64x32xf32>
    %reduce_sum3A_492 = vector.multi_reduction <add>, %convert_element_type3A_490, %reduce_sum3A_491 [3] : vector<7x64x32x64xf32> to vector<7x64x32xf32>
    %slice3A_493 = vector.extract_strided_slice %mul3A_476 {offsets = [0, 0, 32], sizes = [7, 64, 32], strides = [1, 1, 1]} : vector<7x64x64xf32> to vector<7x64x32xf32>
    %broadcast_in_dim3A_494 = vector.shape_cast %mul3A_476 : vector<7x64x64xf32> to vector<7x64x1x64xf32>
    %broadcast_in_dim3A_495 = vector.shape_cast %slice3A_493 : vector<7x64x32xf32> to vector<7x64x32x1xf32>
    %gt3A_496 = vector.broadcast %broadcast_in_dim3A_494 : vector<7x64x1x64xf32> to vector<7x64x32x64xf32>
    %gt3A_497 = vector.broadcast %broadcast_in_dim3A_495 : vector<7x64x32x1xf32> to vector<7x64x32x64xf32>
    %gt3A_498 = arith.cmpf ogt, %gt3A_496, %gt3A_497 : vector<7x64x32x64xf32>
    %convert_element_type3A_499 = arith.extui %gt3A_498 : vector<7x64x32x64xi1> to vector<7x64x32x64xi32>
    %convert_element_type3A_500 = arith.sitofp %convert_element_type3A_499 : vector<7x64x32x64xi32> to vector<7x64x32x64xf32>
    %reduce_sum3A_501 = arith.constant dense<0.000000e+00> : vector<7x64x32xf32>
    %reduce_sum3A_502 = vector.multi_reduction <add>, %convert_element_type3A_500, %reduce_sum3A_501 [3] : vector<7x64x32x64xf32> to vector<7x64x32xf32>
    %concatenate3A_503 = tpu.concatenate %reduce_sum3A_492, %reduce_sum3A_502 in 2 : vector<7x64x32xf32>, vector<7x64x32xf32> -> vector<7x64x64xf32>
    %broadcast_in_dim3A_504 = arith.constant 0.000000e+00 : f32
    %broadcast_in_dim3A_505 = vector.broadcast %broadcast_in_dim3A_504 : f32 to vector<7x64x64xf32>
    %lt3A_506 = arith.constant 3.200000e+01 : f32
    %lt3A_507 = vector.broadcast %lt3A_506 : f32 to vector<7x64x64xf32>
    %lt3A_508 = arith.cmpf olt, %concatenate3A_503, %lt3A_507 : vector<7x64x64xf32>
    %convert_element_type3A_509 = arith.extui %lt3A_508 : vector<7x64x64xi1> to vector<7x64x64xi32>
    %convert_element_type3A_510 = arith.sitofp %convert_element_type3A_509 : vector<7x64x64xi32> to vector<7x64x64xf32>
    %mul3A_511 = arith.mulf %exp3A_482, %convert_element_type3A_510 : vector<7x64x64xf32>
    %reduce_sum3A_512 = arith.constant dense<0.000000e+00> : vector<7x64xf32>
    %reduce_sum3A_513 = vector.multi_reduction <add>, %mul3A_511, %reduce_sum3A_512 [2] : vector<7x64x64xf32> to vector<7x64xf32>
    %broadcast_in_dim3A_514 = vector.shape_cast %reduce_sum3A_513 : vector<7x64xf32> to vector<7x64x1xf32>
    %div3A_515 = vector.broadcast %get3A_0 : f32 to vector<7x64x1xf32>
    %div3A_516 = arith.divf %div3A_515, %broadcast_in_dim3A_514 : vector<7x64x1xf32>
    %mul3A_517 = vector.broadcast %div3A_516 : vector<7x64x1xf32> to vector<7x64x64xf32>
    %mul3A_518 = arith.mulf %convert_element_type3A_510, %mul3A_517 : vector<7x64x64xf32>
    %add3A_519 = arith.addf %broadcast_in_dim3A_505, %mul3A_518 : vector<7x64x64xf32>
    %lt3A_520 = arith.constant 4.200000e+01 : f32
    %lt3A_521 = vector.broadcast %lt3A_520 : f32 to vector<7x64x64xf32>
    %lt3A_522 = arith.cmpf olt, %concatenate3A_503, %lt3A_521 : vector<7x64x64xf32>
    %convert_element_type3A_523 = arith.extui %lt3A_522 : vector<7x64x64xi1> to vector<7x64x64xi32>
    %convert_element_type3A_524 = arith.sitofp %convert_element_type3A_523 : vector<7x64x64xi32> to vector<7x64x64xf32>
    %mul3A_525 = arith.mulf %exp3A_482, %convert_element_type3A_524 : vector<7x64x64xf32>
    %reduce_sum3A_526 = arith.constant dense<0.000000e+00> : vector<7x64xf32>
    %reduce_sum3A_527 = vector.multi_reduction <add>, %mul3A_525, %reduce_sum3A_526 [2] : vector<7x64x64xf32> to vector<7x64xf32>
    %broadcast_in_dim3A_528 = vector.shape_cast %reduce_sum3A_527 : vector<7x64xf32> to vector<7x64x1xf32>
    %div3A_529 = vector.broadcast %get3A_2 : f32 to vector<7x64x1xf32>
    %div3A_530 = arith.divf %div3A_529, %broadcast_in_dim3A_528 : vector<7x64x1xf32>
    %mul3A_531 = vector.broadcast %div3A_530 : vector<7x64x1xf32> to vector<7x64x64xf32>
    %mul3A_532 = arith.mulf %convert_element_type3A_524, %mul3A_531 : vector<7x64x64xf32>
    %add3A_533 = arith.addf %add3A_519, %mul3A_532 : vector<7x64x64xf32>
    %lt3A_534 = arith.constant 4.800000e+01 : f32
    %lt3A_535 = vector.broadcast %lt3A_534 : f32 to vector<7x64x64xf32>
    %lt3A_536 = arith.cmpf olt, %concatenate3A_503, %lt3A_535 : vector<7x64x64xf32>
    %convert_element_type3A_537 = arith.extui %lt3A_536 : vector<7x64x64xi1> to vector<7x64x64xi32>
    %convert_element_type3A_538 = arith.sitofp %convert_element_type3A_537 : vector<7x64x64xi32> to vector<7x64x64xf32>
    %mul3A_539 = arith.mulf %exp3A_482, %convert_element_type3A_538 : vector<7x64x64xf32>
    %reduce_sum3A_540 = arith.constant dense<0.000000e+00> : vector<7x64xf32>
    %reduce_sum3A_541 = vector.multi_reduction <add>, %mul3A_539, %reduce_sum3A_540 [2] : vector<7x64x64xf32> to vector<7x64xf32>
    %broadcast_in_dim3A_542 = vector.shape_cast %reduce_sum3A_541 : vector<7x64xf32> to vector<7x64x1xf32>
    %div3A_543 = vector.broadcast %get3A_4 : f32 to vector<7x64x1xf32>
    %div3A_544 = arith.divf %div3A_543, %broadcast_in_dim3A_542 : vector<7x64x1xf32>
    %mul3A_545 = vector.broadcast %div3A_544 : vector<7x64x1xf32> to vector<7x64x64xf32>
    %mul3A_546 = arith.mulf %convert_element_type3A_538, %mul3A_545 : vector<7x64x64xf32>
    %add3A_547 = arith.addf %add3A_533, %mul3A_546 : vector<7x64x64xf32>
    %lt3A_548 = arith.constant 5.100000e+01 : f32
    %lt3A_549 = vector.broadcast %lt3A_548 : f32 to vector<7x64x64xf32>
    %lt3A_550 = arith.cmpf olt, %concatenate3A_503, %lt3A_549 : vector<7x64x64xf32>
    %convert_element_type3A_551 = arith.extui %lt3A_550 : vector<7x64x64xi1> to vector<7x64x64xi32>
    %convert_element_type3A_552 = arith.sitofp %convert_element_type3A_551 : vector<7x64x64xi32> to vector<7x64x64xf32>
    %mul3A_553 = arith.mulf %exp3A_482, %convert_element_type3A_552 : vector<7x64x64xf32>
    %reduce_sum3A_554 = arith.constant dense<0.000000e+00> : vector<7x64xf32>
    %reduce_sum3A_555 = vector.multi_reduction <add>, %mul3A_553, %reduce_sum3A_554 [2] : vector<7x64x64xf32> to vector<7x64xf32>
    %broadcast_in_dim3A_556 = vector.shape_cast %reduce_sum3A_555 : vector<7x64xf32> to vector<7x64x1xf32>
    %div3A_557 = vector.broadcast %get3A_6 : f32 to vector<7x64x1xf32>
    %div3A_558 = arith.divf %div3A_557, %broadcast_in_dim3A_556 : vector<7x64x1xf32>
    %mul3A_559 = vector.broadcast %div3A_558 : vector<7x64x1xf32> to vector<7x64x64xf32>
    %mul3A_560 = arith.mulf %convert_element_type3A_552, %mul3A_559 : vector<7x64x64xf32>
    %add3A_561 = arith.addf %add3A_547, %mul3A_560 : vector<7x64x64xf32>
    %mul3A_562 = arith.mulf %exp3A_482, %add3A_561 : vector<7x64x64xf32>
    %convert_element_type3A_563 = arith.truncf %mul3A_562 : vector<7x64x64xf32> to vector<7x64x64xbf16>
    %convert_element_type3A_564 = arith.truncf %get3A_448 : vector<7x64x48xf32> to vector<7x64x48xbf16>
    %dot_general3A_565 = arith.constant dense<0.000000e+00> : vector<7x64x48xf32>
    %dot_general3A_566 = tpu.matmul %convert_element_type3A_563, %convert_element_type3A_564, %dot_general3A_565 {dimension_numbers = #tpu.dot_dimension_numbers<[2], [1], [1], [2], [0, 0, 0, 1, 1, 2], [0], [0]>, transpose_lhs_hint = false} : vector<7x64x64xbf16>, vector<7x64x48xbf16>, vector<7x64x48xf32> -> vector<7x64x48xf32>
    %swap3A_567 = arith.constant 0 : index
    %swap3A_568 = arith.constant 3 : index
    %swap3A_569 = arith.constant 0 : index
    %swap3A_570 = arith.constant 0 : index
    %swap3A_571 = vector.load %arg4[%swap3A_567, %swap3A_568, %swap3A_569, %swap3A_570] : memref<7x4x64x48xf32, #tpu.memory_space<vmem>>, vector<7x1x64x48xf32>
    %swap3A_572 = vector.shape_cast %swap3A_571 : vector<7x1x64x48xf32> to vector<7x64x48xf32>
    %swap3A_573 = vector.shape_cast %dot_general3A_566 : vector<7x64x48xf32> to vector<7x1x64x48xf32>
    tpu.vector_store %arg4[%swap3A_567, %swap3A_568, %swap3A_569, %swap3A_570], %swap3A_573 {strides = array<i32>} : memref<7x4x64x48xf32, #tpu.memory_space<vmem>>, vector<7x1x64x48xf32>,
    return
  }
  func.func @transform_0(%arg0: i32) -> i32 {
    %c0_i32 = arith.constant 0 : i32
    %c0_i32_0 = arith.constant 0 : i32
    return %c0_i32 : i32
  }
  func.func @transform_1(%arg0: i32) -> i32 {
    %c0_i32 = arith.constant 0 : i32
    %c0_i32_0 = arith.constant 0 : i32
    return %c0_i32 : i32
  }
  func.func @transform_2(%arg0: i32) -> (i32, i32, i32, i32, i32) {
    %c0_i32 = arith.constant 0 : i32
    %c0_i32_0 = arith.constant 0 : i32
    %c0_i32_1 = arith.constant 0 : i32
    %c0_i32_2 = arith.constant 0 : i32
    %c0_i32_3 = arith.constant 0 : i32
    return %c0_i32, %arg0, %c0_i32_0, %c0_i32_1, %c0_i32_2 : i32, i32, i32, i32, i32
  }
  func.func @transform_3(%arg0: i32) -> (i32, i32, i32, i32) {
    %c0_i32 = arith.constant 0 : i32
    %c0_i32_0 = arith.constant 0 : i32
    %c0_i32_1 = arith.constant 0 : i32
    %c0_i32_2 = arith.constant 0 : i32
    return %arg0, %c0_i32, %c0_i32_0, %c0_i32_1 : i32, i32, i32, i32
  }
}

module attributes {stable_mosaic.version = 14 : i64} {
  func.func @_gram_kernel(%arg0: i32, %arg1: memref<192x1024xf32, #tpu.memory_space<vmem>>, %arg2: memref<192x1024xf32, #tpu.memory_space<vmem>>, %arg3: memref<192x1xf32, #tpu.memory_space<vmem>>, %arg4: memref<192x1xf32, #tpu.memory_space<vmem>>, %arg5: memref<4x48x48xf32, #tpu.memory_space<vmem>>) attributes {dimension_semantics = [#tpu.dimension_semantics<arbitrary>], iteration_bounds = array<i64: 49>, scalar_prefetch = 0 : i64, scratch_operands = 0 : i64, tpu.core_type = #tpu.core_type<tc>, window_params = [{transform_indices = @transform_0, window_bounds = array<i64: 192, 1024>}, {transform_indices = @transform_1, window_bounds = array<i64: 192, 1024>}, {transform_indices = @transform_2, window_bounds = array<i64: 192, 1>}, {transform_indices = @transform_3, window_bounds = array<i64: 192, 1>}, {pipeline_mode = #tpu.pipeline_mode<synchronous>, transform_indices = @transform_4, window_bounds = array<i64: 4, 48, 48>}]} {
    %eq3A = arith.constant 0 : i32
    %eq3A_0 = arith.cmpi eq, %arg0, %eq3A : i32
    %convert_element_type3A = arith.extui %eq3A_0 : i1 to i32
    %cond3A = arith.constant 0 : i32
    %cond3A_1 = arith.cmpi ne, %convert_element_type3A, %cond3A : i32
    scf.if %cond3A_1 {
      %broadcast_in_dim3A = arith.constant 0.000000e+00 : f32
      %broadcast_in_dim3A_78 = vector.broadcast %broadcast_in_dim3A : f32 to vector<4x48x48xf32>
      %swap3A_79 = arith.constant 0 : index
      %swap3A_80 = arith.constant 0 : index
      %swap3A_81 = arith.constant 0 : index
      %swap3A_82 = vector.load %arg5[%swap3A_79, %swap3A_80, %swap3A_81] : memref<4x48x48xf32, #tpu.memory_space<vmem>>, vector<4x48x48xf32>
      tpu.vector_store %arg5[%swap3A_79, %swap3A_80, %swap3A_81], %broadcast_in_dim3A_78 {strides = array<i32>} : memref<4x48x48xf32, #tpu.memory_space<vmem>>, vector<4x48x48xf32>,
    } else {
    }
    %get3A = arith.constant 0 : index
    %get3A_2 = arith.constant 0 : index
    %get3A_3 = vector.load %arg1[%get3A, %get3A_2] : memref<192x1024xf32, #tpu.memory_space<vmem>>, vector<192x1024xf32>
    %get3A_4 = arith.constant 0 : index
    %get3A_5 = arith.constant 0 : index
    %get3A_6 = vector.load %arg3[%get3A_4, %get3A_5] : memref<192x1xf32, #tpu.memory_space<vmem>>, vector<192x1xf32>
    %mul3A = vector.broadcast %get3A_6 : vector<192x1xf32> to vector<192x1024xf32>
    %mul3A_7 = arith.mulf %get3A_3, %mul3A : vector<192x1024xf32>
    %convert_element_type3A_8 = arith.truncf %mul3A_7 : vector<192x1024xf32> to vector<192x1024xbf16>
    %get3A_9 = arith.constant 0 : index
    %get3A_10 = arith.constant 0 : index
    %get3A_11 = vector.load %arg2[%get3A_9, %get3A_10] : memref<192x1024xf32, #tpu.memory_space<vmem>>, vector<192x1024xf32>
    %get3A_12 = arith.constant 0 : index
    %get3A_13 = arith.constant 0 : index
    %get3A_14 = vector.load %arg4[%get3A_12, %get3A_13] : memref<192x1xf32, #tpu.memory_space<vmem>>, vector<192x1xf32>
    %mul3A_15 = vector.broadcast %get3A_14 : vector<192x1xf32> to vector<192x1024xf32>
    %mul3A_16 = arith.mulf %get3A_11, %mul3A_15 : vector<192x1024xf32>
    %convert_element_type3A_17 = arith.truncf %mul3A_16 : vector<192x1024xf32> to vector<192x1024xbf16>
    %get3A_18 = arith.constant 0 : index
    %get3A_19 = arith.constant 0 : index
    %get3A_20 = arith.constant 0 : index
    %get3A_21 = vector.load %arg5[%get3A_18, %get3A_19, %get3A_20] : memref<4x48x48xf32, #tpu.memory_space<vmem>>, vector<1x48x48xf32>
    %get3A_22 = vector.shape_cast %get3A_21 : vector<1x48x48xf32> to vector<48x48xf32>
    %slice3A = vector.extract_strided_slice %convert_element_type3A_8 {offsets = [0, 0], sizes = [48, 1024], strides = [1, 1]} : vector<192x1024xbf16> to vector<48x1024xbf16>
    %slice3A_23 = vector.extract_strided_slice %convert_element_type3A_17 {offsets = [0, 0], sizes = [48, 1024], strides = [1, 1]} : vector<192x1024xbf16> to vector<48x1024xbf16>
    %dot_general3A = arith.constant dense<0.000000e+00> : vector<48x48xf32>
    %dot_general3A_24 = tpu.matmul %slice3A, %slice3A_23, %dot_general3A {dimension_numbers = #tpu.dot_dimension_numbers<[1], [1], [0], [0], [0, 0, 1, 0], [], []>, transpose_lhs_hint = false} : vector<48x1024xbf16>, vector<48x1024xbf16>, vector<48x48xf32> -> vector<48x48xf32>
    %add3A = arith.addf %get3A_22, %dot_general3A_24 : vector<48x48xf32>
    %swap3A = arith.constant 0 : index
    %swap3A_25 = arith.constant 0 : index
    %swap3A_26 = arith.constant 0 : index
    %swap3A_27 = vector.load %arg5[%swap3A, %swap3A_25, %swap3A_26] : memref<4x48x48xf32, #tpu.memory_space<vmem>>, vector<1x48x48xf32>
    %swap3A_28 = vector.shape_cast %swap3A_27 : vector<1x48x48xf32> to vector<48x48xf32>
    %swap3A_29 = vector.shape_cast %add3A : vector<48x48xf32> to vector<1x48x48xf32>
    tpu.vector_store %arg5[%swap3A, %swap3A_25, %swap3A_26], %swap3A_29 {strides = array<i32>} : memref<4x48x48xf32, #tpu.memory_space<vmem>>, vector<1x48x48xf32>,
    %get3A_30 = arith.constant 1 : index
    %get3A_31 = arith.constant 0 : index
    %get3A_32 = arith.constant 0 : index
    %get3A_33 = vector.load %arg5[%get3A_30, %get3A_31, %get3A_32] : memref<4x48x48xf32, #tpu.memory_space<vmem>>, vector<1x48x48xf32>
    %get3A_34 = vector.shape_cast %get3A_33 : vector<1x48x48xf32> to vector<48x48xf32>
    %slice3A_35 = vector.extract_strided_slice %convert_element_type3A_8 {offsets = [48, 0], sizes = [48, 1024], strides = [1, 1]} : vector<192x1024xbf16> to vector<48x1024xbf16>
    %slice3A_36 = vector.extract_strided_slice %convert_element_type3A_17 {offsets = [48, 0], sizes = [48, 1024], strides = [1, 1]} : vector<192x1024xbf16> to vector<48x1024xbf16>
    %dot_general3A_37 = arith.constant dense<0.000000e+00> : vector<48x48xf32>
    %dot_general3A_38 = tpu.matmul %slice3A_35, %slice3A_36, %dot_general3A_37 {dimension_numbers = #tpu.dot_dimension_numbers<[1], [1], [0], [0], [0, 0, 1, 0], [], []>, transpose_lhs_hint = false} : vector<48x1024xbf16>, vector<48x1024xbf16>, vector<48x48xf32> -> vector<48x48xf32>
    %add3A_39 = arith.addf %get3A_34, %dot_general3A_38 : vector<48x48xf32>
    %swap3A_40 = arith.constant 1 : index
    %swap3A_41 = arith.constant 0 : index
    %swap3A_42 = arith.constant 0 : index
    %swap3A_43 = vector.load %arg5[%swap3A_40, %swap3A_41, %swap3A_42] : memref<4x48x48xf32, #tpu.memory_space<vmem>>, vector<1x48x48xf32>
    %swap3A_44 = vector.shape_cast %swap3A_43 : vector<1x48x48xf32> to vector<48x48xf32>
    %swap3A_45 = vector.shape_cast %add3A_39 : vector<48x48xf32> to vector<1x48x48xf32>
    tpu.vector_store %arg5[%swap3A_40, %swap3A_41, %swap3A_42], %swap3A_45 {strides = array<i32>} : memref<4x48x48xf32, #tpu.memory_space<vmem>>, vector<1x48x48xf32>,
    %get3A_46 = arith.constant 2 : index
    %get3A_47 = arith.constant 0 : index
    %get3A_48 = arith.constant 0 : index
    %get3A_49 = vector.load %arg5[%get3A_46, %get3A_47, %get3A_48] : memref<4x48x48xf32, #tpu.memory_space<vmem>>, vector<1x48x48xf32>
    %get3A_50 = vector.shape_cast %get3A_49 : vector<1x48x48xf32> to vector<48x48xf32>
    %slice3A_51 = vector.extract_strided_slice %convert_element_type3A_8 {offsets = [96, 0], sizes = [48, 1024], strides = [1, 1]} : vector<192x1024xbf16> to vector<48x1024xbf16>
    %slice3A_52 = vector.extract_strided_slice %convert_element_type3A_17 {offsets = [96, 0], sizes = [48, 1024], strides = [1, 1]} : vector<192x1024xbf16> to vector<48x1024xbf16>
    %dot_general3A_53 = arith.constant dense<0.000000e+00> : vector<48x48xf32>
    %dot_general3A_54 = tpu.matmul %slice3A_51, %slice3A_52, %dot_general3A_53 {dimension_numbers = #tpu.dot_dimension_numbers<[1], [1], [0], [0], [0, 0, 1, 0], [], []>, transpose_lhs_hint = false} : vector<48x1024xbf16>, vector<48x1024xbf16>, vector<48x48xf32> -> vector<48x48xf32>
    %add3A_55 = arith.addf %get3A_50, %dot_general3A_54 : vector<48x48xf32>
    %swap3A_56 = arith.constant 2 : index
    %swap3A_57 = arith.constant 0 : index
    %swap3A_58 = arith.constant 0 : index
    %swap3A_59 = vector.load %arg5[%swap3A_56, %swap3A_57, %swap3A_58] : memref<4x48x48xf32, #tpu.memory_space<vmem>>, vector<1x48x48xf32>
    %swap3A_60 = vector.shape_cast %swap3A_59 : vector<1x48x48xf32> to vector<48x48xf32>
    %swap3A_61 = vector.shape_cast %add3A_55 : vector<48x48xf32> to vector<1x48x48xf32>
    tpu.vector_store %arg5[%swap3A_56, %swap3A_57, %swap3A_58], %swap3A_61 {strides = array<i32>} : memref<4x48x48xf32, #tpu.memory_space<vmem>>, vector<1x48x48xf32>,
    %get3A_62 = arith.constant 3 : index
    %get3A_63 = arith.constant 0 : index
    %get3A_64 = arith.constant 0 : index
    %get3A_65 = vector.load %arg5[%get3A_62, %get3A_63, %get3A_64] : memref<4x48x48xf32, #tpu.memory_space<vmem>>, vector<1x48x48xf32>
    %get3A_66 = vector.shape_cast %get3A_65 : vector<1x48x48xf32> to vector<48x48xf32>
    %slice3A_67 = vector.extract_strided_slice %convert_element_type3A_8 {offsets = [144, 0], sizes = [48, 1024], strides = [1, 1]} : vector<192x1024xbf16> to vector<48x1024xbf16>
    %slice3A_68 = vector.extract_strided_slice %convert_element_type3A_17 {offsets = [144, 0], sizes = [48, 1024], strides = [1, 1]} : vector<192x1024xbf16> to vector<48x1024xbf16>
    %dot_general3A_69 = arith.constant dense<0.000000e+00> : vector<48x48xf32>
    %dot_general3A_70 = tpu.matmul %slice3A_67, %slice3A_68, %dot_general3A_69 {dimension_numbers = #tpu.dot_dimension_numbers<[1], [1], [0], [0], [0, 0, 1, 0], [], []>, transpose_lhs_hint = false} : vector<48x1024xbf16>, vector<48x1024xbf16>, vector<48x48xf32> -> vector<48x48xf32>
    %add3A_71 = arith.addf %get3A_66, %dot_general3A_70 : vector<48x48xf32>
    %swap3A_72 = arith.constant 3 : index
    %swap3A_73 = arith.constant 0 : index
    %swap3A_74 = arith.constant 0 : index
    %swap3A_75 = vector.load %arg5[%swap3A_72, %swap3A_73, %swap3A_74] : memref<4x48x48xf32, #tpu.memory_space<vmem>>, vector<1x48x48xf32>
    %swap3A_76 = vector.shape_cast %swap3A_75 : vector<1x48x48xf32> to vector<48x48xf32>
    %swap3A_77 = vector.shape_cast %add3A_71 : vector<48x48xf32> to vector<1x48x48xf32>
    tpu.vector_store %arg5[%swap3A_72, %swap3A_73, %swap3A_74], %swap3A_77 {strides = array<i32>} : memref<4x48x48xf32, #tpu.memory_space<vmem>>, vector<1x48x48xf32>,
    return
  }
  func.func @transform_0(%arg0: i32) -> (i32, i32) {
    %c0_i32 = arith.constant 0 : i32
    %c0_i32_0 = arith.constant 0 : i32
    return %c0_i32, %arg0 : i32, i32
  }
  func.func @transform_1(%arg0: i32) -> (i32, i32) {
    %c1_i32 = arith.constant 1 : i32
    %c0_i32 = arith.constant 0 : i32
    return %c1_i32, %arg0 : i32, i32
  }
  func.func @transform_2(%arg0: i32) -> (i32, i32) {
    %c0_i32 = arith.constant 0 : i32
    %c0_i32_0 = arith.constant 0 : i32
    %c0_i32_1 = arith.constant 0 : i32
    return %c0_i32, %c0_i32_0 : i32, i32
  }
  func.func @transform_3(%arg0: i32) -> (i32, i32) {
    %c1_i32 = arith.constant 1 : i32
    %c0_i32 = arith.constant 0 : i32
    %c0_i32_0 = arith.constant 0 : i32
    return %c1_i32, %c0_i32 : i32, i32
  }
  func.func @transform_4(%arg0: i32) -> (i32, i32, i32) {
    %c0_i32 = arith.constant 0 : i32
    %c0_i32_0 = arith.constant 0 : i32
    %c0_i32_1 = arith.constant 0 : i32
    %c0_i32_2 = arith.constant 0 : i32
    return %c0_i32, %c0_i32_0, %c0_i32_1 : i32, i32, i32
  }
}

module attributes {stable_mosaic.version = 14 : i64} {
  func.func @_channel_kernel(%arg0: memref<4xf32, #tpu.memory_space<smem>>, %arg1: memref<4xf32, #tpu.memory_space<smem>>, %arg2: memref<4x48x48xf32, #tpu.memory_space<vmem>>, %arg3: memref<4x48x48xf32, #tpu.memory_space<vmem>>) attributes {dimension_semantics = [], scalar_prefetch = 0 : i64, scratch_operands = 0 : i64, tpu.core_type = #tpu.core_type<tc>} {
    %get3A = arith.constant 0 : index
    %get3A_0 = memref.load %arg1[%get3A] : memref<4xf32, #tpu.memory_space<smem>>
    %get3A_1 = arith.constant 1 : index
    %get3A_2 = memref.load %arg1[%get3A_1] : memref<4xf32, #tpu.memory_space<smem>>
    %get3A_3 = arith.constant 2 : index
    %get3A_4 = memref.load %arg1[%get3A_3] : memref<4xf32, #tpu.memory_space<smem>>
    %get3A_5 = arith.constant 3 : index
    %get3A_6 = memref.load %arg1[%get3A_5] : memref<4xf32, #tpu.memory_space<smem>>
    %get3A_7 = arith.constant 0 : index
    %get3A_8 = arith.constant 0 : index
    %get3A_9 = arith.constant 0 : index
    %get3A_10 = vector.load %arg2[%get3A_7, %get3A_8, %get3A_9] : memref<4x48x48xf32, #tpu.memory_space<vmem>>, vector<1x48x48xf32>
    %get3A_11 = vector.shape_cast %get3A_10 : vector<1x48x48xf32> to vector<48x48xf32>
    %get3A_12 = arith.constant 0 : index
    %get3A_13 = memref.load %arg0[%get3A_12] : memref<4xf32, #tpu.memory_space<smem>>
    %mul3A = vector.broadcast %get3A_13 : f32 to vector<48x48xf32>
    %mul3A_14 = arith.mulf %get3A_11, %mul3A : vector<48x48xf32>
    %reduce_max3A = arith.constant dense<0xFF800000> : vector<48xf32>
    %reduce_max3A_15 = vector.multi_reduction <maximumf>, %mul3A_14, %reduce_max3A [1] : vector<48x48xf32> to vector<48xf32>
    %broadcast_in_dim3A = vector.shape_cast %reduce_max3A_15 : vector<48xf32> to vector<48x1xf32>
    %sub3A = vector.broadcast %broadcast_in_dim3A : vector<48x1xf32> to vector<48x48xf32>
    %sub3A_16 = arith.subf %mul3A_14, %sub3A : vector<48x48xf32>
    %exp3A = math.exp %sub3A_16 : vector<48x48xf32>
    %slice3A = vector.extract_strided_slice %mul3A_14 {offsets = [0, 0], sizes = [48, 32], strides = [1, 1]} : vector<48x48xf32> to vector<48x32xf32>
    %broadcast_in_dim3A_17 = vector.shape_cast %mul3A_14 : vector<48x48xf32> to vector<48x1x48xf32>
    %broadcast_in_dim3A_18 = vector.shape_cast %slice3A : vector<48x32xf32> to vector<48x32x1xf32>
    %gt3A = vector.broadcast %broadcast_in_dim3A_17 : vector<48x1x48xf32> to vector<48x32x48xf32>
    %gt3A_19 = vector.broadcast %broadcast_in_dim3A_18 : vector<48x32x1xf32> to vector<48x32x48xf32>
    %gt3A_20 = arith.cmpf ogt, %gt3A, %gt3A_19 : vector<48x32x48xf32>
    %convert_element_type3A = arith.extui %gt3A_20 : vector<48x32x48xi1> to vector<48x32x48xi32>
    %convert_element_type3A_21 = arith.sitofp %convert_element_type3A : vector<48x32x48xi32> to vector<48x32x48xf32>
    %reduce_sum3A = arith.constant dense<0.000000e+00> : vector<48x32xf32>
    %reduce_sum3A_22 = vector.multi_reduction <add>, %convert_element_type3A_21, %reduce_sum3A [2] : vector<48x32x48xf32> to vector<48x32xf32>
    %slice3A_23 = vector.extract_strided_slice %mul3A_14 {offsets = [0, 32], sizes = [48, 16], strides = [1, 1]} : vector<48x48xf32> to vector<48x16xf32>
    %broadcast_in_dim3A_24 = vector.shape_cast %mul3A_14 : vector<48x48xf32> to vector<48x1x48xf32>
    %broadcast_in_dim3A_25 = vector.shape_cast %slice3A_23 : vector<48x16xf32> to vector<48x16x1xf32>
    %gt3A_26 = vector.broadcast %broadcast_in_dim3A_24 : vector<48x1x48xf32> to vector<48x16x48xf32>
    %gt3A_27 = vector.broadcast %broadcast_in_dim3A_25 : vector<48x16x1xf32> to vector<48x16x48xf32>
    %gt3A_28 = arith.cmpf ogt, %gt3A_26, %gt3A_27 : vector<48x16x48xf32>
    %convert_element_type3A_29 = arith.extui %gt3A_28 : vector<48x16x48xi1> to vector<48x16x48xi32>
    %convert_element_type3A_30 = arith.sitofp %convert_element_type3A_29 : vector<48x16x48xi32> to vector<48x16x48xf32>
    %reduce_sum3A_31 = arith.constant dense<0.000000e+00> : vector<48x16xf32>
    %reduce_sum3A_32 = vector.multi_reduction <add>, %convert_element_type3A_30, %reduce_sum3A_31 [2] : vector<48x16x48xf32> to vector<48x16xf32>
    %concatenate3A = tpu.concatenate %reduce_sum3A_22, %reduce_sum3A_32 in 1 : vector<48x32xf32>, vector<48x16xf32> -> vector<48x48xf32>
    %broadcast_in_dim3A_33 = arith.constant 0.000000e+00 : f32
    %broadcast_in_dim3A_34 = vector.broadcast %broadcast_in_dim3A_33 : f32 to vector<48x48xf32>
    %lt3A = arith.constant 2.400000e+01 : f32
    %lt3A_35 = vector.broadcast %lt3A : f32 to vector<48x48xf32>
    %lt3A_36 = arith.cmpf olt, %concatenate3A, %lt3A_35 : vector<48x48xf32>
    %convert_element_type3A_37 = arith.extui %lt3A_36 : vector<48x48xi1> to vector<48x48xi32>
    %convert_element_type3A_38 = arith.sitofp %convert_element_type3A_37 : vector<48x48xi32> to vector<48x48xf32>
    %mul3A_39 = arith.mulf %exp3A, %convert_element_type3A_38 : vector<48x48xf32>
    %reduce_sum3A_40 = arith.constant dense<0.000000e+00> : vector<48xf32>
    %reduce_sum3A_41 = vector.multi_reduction <add>, %mul3A_39, %reduce_sum3A_40 [1] : vector<48x48xf32> to vector<48xf32>
    %broadcast_in_dim3A_42 = vector.shape_cast %reduce_sum3A_41 : vector<48xf32> to vector<48x1xf32>
    %div3A = vector.broadcast %get3A_0 : f32 to vector<48x1xf32>
    %div3A_43 = arith.divf %div3A, %broadcast_in_dim3A_42 : vector<48x1xf32>
    %mul3A_44 = vector.broadcast %div3A_43 : vector<48x1xf32> to vector<48x48xf32>
    %mul3A_45 = arith.mulf %convert_element_type3A_38, %mul3A_44 : vector<48x48xf32>
    %add3A = arith.addf %broadcast_in_dim3A_34, %mul3A_45 : vector<48x48xf32>
    %lt3A_46 = arith.constant 3.200000e+01 : f32
    %lt3A_47 = vector.broadcast %lt3A_46 : f32 to vector<48x48xf32>
    %lt3A_48 = arith.cmpf olt, %concatenate3A, %lt3A_47 : vector<48x48xf32>
    %convert_element_type3A_49 = arith.extui %lt3A_48 : vector<48x48xi1> to vector<48x48xi32>
    %convert_element_type3A_50 = arith.sitofp %convert_element_type3A_49 : vector<48x48xi32> to vector<48x48xf32>
    %mul3A_51 = arith.mulf %exp3A, %convert_element_type3A_50 : vector<48x48xf32>
    %reduce_sum3A_52 = arith.constant dense<0.000000e+00> : vector<48xf32>
    %reduce_sum3A_53 = vector.multi_reduction <add>, %mul3A_51, %reduce_sum3A_52 [1] : vector<48x48xf32> to vector<48xf32>
    %broadcast_in_dim3A_54 = vector.shape_cast %reduce_sum3A_53 : vector<48xf32> to vector<48x1xf32>
    %div3A_55 = vector.broadcast %get3A_2 : f32 to vector<48x1xf32>
    %div3A_56 = arith.divf %div3A_55, %broadcast_in_dim3A_54 : vector<48x1xf32>
    %mul3A_57 = vector.broadcast %div3A_56 : vector<48x1xf32> to vector<48x48xf32>
    %mul3A_58 = arith.mulf %convert_element_type3A_50, %mul3A_57 : vector<48x48xf32>
    %add3A_59 = arith.addf %add3A, %mul3A_58 : vector<48x48xf32>
    %lt3A_60 = arith.constant 3.600000e+01 : f32
    %lt3A_61 = vector.broadcast %lt3A_60 : f32 to vector<48x48xf32>
    %lt3A_62 = arith.cmpf olt, %concatenate3A, %lt3A_61 : vector<48x48xf32>
    %convert_element_type3A_63 = arith.extui %lt3A_62 : vector<48x48xi1> to vector<48x48xi32>
    %convert_element_type3A_64 = arith.sitofp %convert_element_type3A_63 : vector<48x48xi32> to vector<48x48xf32>
    %mul3A_65 = arith.mulf %exp3A, %convert_element_type3A_64 : vector<48x48xf32>
    %reduce_sum3A_66 = arith.constant dense<0.000000e+00> : vector<48xf32>
    %reduce_sum3A_67 = vector.multi_reduction <add>, %mul3A_65, %reduce_sum3A_66 [1] : vector<48x48xf32> to vector<48xf32>
    %broadcast_in_dim3A_68 = vector.shape_cast %reduce_sum3A_67 : vector<48xf32> to vector<48x1xf32>
    %div3A_69 = vector.broadcast %get3A_4 : f32 to vector<48x1xf32>
    %div3A_70 = arith.divf %div3A_69, %broadcast_in_dim3A_68 : vector<48x1xf32>
    %mul3A_71 = vector.broadcast %div3A_70 : vector<48x1xf32> to vector<48x48xf32>
    %mul3A_72 = arith.mulf %convert_element_type3A_64, %mul3A_71 : vector<48x48xf32>
    %add3A_73 = arith.addf %add3A_59, %mul3A_72 : vector<48x48xf32>
    %lt3A_74 = arith.constant 3.800000e+01 : f32
    %lt3A_75 = vector.broadcast %lt3A_74 : f32 to vector<48x48xf32>
    %lt3A_76 = arith.cmpf olt, %concatenate3A, %lt3A_75 : vector<48x48xf32>
    %convert_element_type3A_77 = arith.extui %lt3A_76 : vector<48x48xi1> to vector<48x48xi32>
    %convert_element_type3A_78 = arith.sitofp %convert_element_type3A_77 : vector<48x48xi32> to vector<48x48xf32>
    %mul3A_79 = arith.mulf %exp3A, %convert_element_type3A_78 : vector<48x48xf32>
    %reduce_sum3A_80 = arith.constant dense<0.000000e+00> : vector<48xf32>
    %reduce_sum3A_81 = vector.multi_reduction <add>, %mul3A_79, %reduce_sum3A_80 [1] : vector<48x48xf32> to vector<48xf32>
    %broadcast_in_dim3A_82 = vector.shape_cast %reduce_sum3A_81 : vector<48xf32> to vector<48x1xf32>
    %div3A_83 = vector.broadcast %get3A_6 : f32 to vector<48x1xf32>
    %div3A_84 = arith.divf %div3A_83, %broadcast_in_dim3A_82 : vector<48x1xf32>
    %mul3A_85 = vector.broadcast %div3A_84 : vector<48x1xf32> to vector<48x48xf32>
    %mul3A_86 = arith.mulf %convert_element_type3A_78, %mul3A_85 : vector<48x48xf32>
    %add3A_87 = arith.addf %add3A_73, %mul3A_86 : vector<48x48xf32>
    %mul3A_88 = arith.mulf %exp3A, %add3A_87 : vector<48x48xf32>
    %swap3A = arith.constant 0 : index
    %swap3A_89 = arith.constant 0 : index
    %swap3A_90 = arith.constant 0 : index
    %swap3A_91 = vector.load %arg3[%swap3A, %swap3A_89, %swap3A_90] : memref<4x48x48xf32, #tpu.memory_space<vmem>>, vector<1x48x48xf32>
    %swap3A_92 = vector.shape_cast %swap3A_91 : vector<1x48x48xf32> to vector<48x48xf32>
    %swap3A_93 = vector.shape_cast %mul3A_88 : vector<48x48xf32> to vector<1x48x48xf32>
    tpu.vector_store %arg3[%swap3A, %swap3A_89, %swap3A_90], %swap3A_93 {strides = array<i32>} : memref<4x48x48xf32, #tpu.memory_space<vmem>>, vector<1x48x48xf32>,
    %get3A_94 = arith.constant 1 : index
    %get3A_95 = arith.constant 0 : index
    %get3A_96 = arith.constant 0 : index
    %get3A_97 = vector.load %arg2[%get3A_94, %get3A_95, %get3A_96] : memref<4x48x48xf32, #tpu.memory_space<vmem>>, vector<1x48x48xf32>
    %get3A_98 = vector.shape_cast %get3A_97 : vector<1x48x48xf32> to vector<48x48xf32>
    %get3A_99 = arith.constant 1 : index
    %get3A_100 = memref.load %arg0[%get3A_99] : memref<4xf32, #tpu.memory_space<smem>>
    %mul3A_101 = vector.broadcast %get3A_100 : f32 to vector<48x48xf32>
    %mul3A_102 = arith.mulf %get3A_98, %mul3A_101 : vector<48x48xf32>
    %reduce_max3A_103 = arith.constant dense<0xFF800000> : vector<48xf32>
    %reduce_max3A_104 = vector.multi_reduction <maximumf>, %mul3A_102, %reduce_max3A_103 [1] : vector<48x48xf32> to vector<48xf32>
    %broadcast_in_dim3A_105 = vector.shape_cast %reduce_max3A_104 : vector<48xf32> to vector<48x1xf32>
    %sub3A_106 = vector.broadcast %broadcast_in_dim3A_105 : vector<48x1xf32> to vector<48x48xf32>
    %sub3A_107 = arith.subf %mul3A_102, %sub3A_106 : vector<48x48xf32>
    %exp3A_108 = math.exp %sub3A_107 : vector<48x48xf32>
    %slice3A_109 = vector.extract_strided_slice %mul3A_102 {offsets = [0, 0], sizes = [48, 32], strides = [1, 1]} : vector<48x48xf32> to vector<48x32xf32>
    %broadcast_in_dim3A_110 = vector.shape_cast %mul3A_102 : vector<48x48xf32> to vector<48x1x48xf32>
    %broadcast_in_dim3A_111 = vector.shape_cast %slice3A_109 : vector<48x32xf32> to vector<48x32x1xf32>
    %gt3A_112 = vector.broadcast %broadcast_in_dim3A_110 : vector<48x1x48xf32> to vector<48x32x48xf32>
    %gt3A_113 = vector.broadcast %broadcast_in_dim3A_111 : vector<48x32x1xf32> to vector<48x32x48xf32>
    %gt3A_114 = arith.cmpf ogt, %gt3A_112, %gt3A_113 : vector<48x32x48xf32>
    %convert_element_type3A_115 = arith.extui %gt3A_114 : vector<48x32x48xi1> to vector<48x32x48xi32>
    %convert_element_type3A_116 = arith.sitofp %convert_element_type3A_115 : vector<48x32x48xi32> to vector<48x32x48xf32>
    %reduce_sum3A_117 = arith.constant dense<0.000000e+00> : vector<48x32xf32>
    %reduce_sum3A_118 = vector.multi_reduction <add>, %convert_element_type3A_116, %reduce_sum3A_117 [2] : vector<48x32x48xf32> to vector<48x32xf32>
    %slice3A_119 = vector.extract_strided_slice %mul3A_102 {offsets = [0, 32], sizes = [48, 16], strides = [1, 1]} : vector<48x48xf32> to vector<48x16xf32>
    %broadcast_in_dim3A_120 = vector.shape_cast %mul3A_102 : vector<48x48xf32> to vector<48x1x48xf32>
    %broadcast_in_dim3A_121 = vector.shape_cast %slice3A_119 : vector<48x16xf32> to vector<48x16x1xf32>
    %gt3A_122 = vector.broadcast %broadcast_in_dim3A_120 : vector<48x1x48xf32> to vector<48x16x48xf32>
    %gt3A_123 = vector.broadcast %broadcast_in_dim3A_121 : vector<48x16x1xf32> to vector<48x16x48xf32>
    %gt3A_124 = arith.cmpf ogt, %gt3A_122, %gt3A_123 : vector<48x16x48xf32>
    %convert_element_type3A_125 = arith.extui %gt3A_124 : vector<48x16x48xi1> to vector<48x16x48xi32>
    %convert_element_type3A_126 = arith.sitofp %convert_element_type3A_125 : vector<48x16x48xi32> to vector<48x16x48xf32>
    %reduce_sum3A_127 = arith.constant dense<0.000000e+00> : vector<48x16xf32>
    %reduce_sum3A_128 = vector.multi_reduction <add>, %convert_element_type3A_126, %reduce_sum3A_127 [2] : vector<48x16x48xf32> to vector<48x16xf32>
    %concatenate3A_129 = tpu.concatenate %reduce_sum3A_118, %reduce_sum3A_128 in 1 : vector<48x32xf32>, vector<48x16xf32> -> vector<48x48xf32>
    %broadcast_in_dim3A_130 = arith.constant 0.000000e+00 : f32
    %broadcast_in_dim3A_131 = vector.broadcast %broadcast_in_dim3A_130 : f32 to vector<48x48xf32>
    %lt3A_132 = arith.constant 2.400000e+01 : f32
    %lt3A_133 = vector.broadcast %lt3A_132 : f32 to vector<48x48xf32>
    %lt3A_134 = arith.cmpf olt, %concatenate3A_129, %lt3A_133 : vector<48x48xf32>
    %convert_element_type3A_135 = arith.extui %lt3A_134 : vector<48x48xi1> to vector<48x48xi32>
    %convert_element_type3A_136 = arith.sitofp %convert_element_type3A_135 : vector<48x48xi32> to vector<48x48xf32>
    %mul3A_137 = arith.mulf %exp3A_108, %convert_element_type3A_136 : vector<48x48xf32>
    %reduce_sum3A_138 = arith.constant dense<0.000000e+00> : vector<48xf32>
    %reduce_sum3A_139 = vector.multi_reduction <add>, %mul3A_137, %reduce_sum3A_138 [1] : vector<48x48xf32> to vector<48xf32>
    %broadcast_in_dim3A_140 = vector.shape_cast %reduce_sum3A_139 : vector<48xf32> to vector<48x1xf32>
    %div3A_141 = vector.broadcast %get3A_0 : f32 to vector<48x1xf32>
    %div3A_142 = arith.divf %div3A_141, %broadcast_in_dim3A_140 : vector<48x1xf32>
    %mul3A_143 = vector.broadcast %div3A_142 : vector<48x1xf32> to vector<48x48xf32>
    %mul3A_144 = arith.mulf %convert_element_type3A_136, %mul3A_143 : vector<48x48xf32>
    %add3A_145 = arith.addf %broadcast_in_dim3A_131, %mul3A_144 : vector<48x48xf32>
    %lt3A_146 = arith.constant 3.200000e+01 : f32
    %lt3A_147 = vector.broadcast %lt3A_146 : f32 to vector<48x48xf32>
    %lt3A_148 = arith.cmpf olt, %concatenate3A_129, %lt3A_147 : vector<48x48xf32>
    %convert_element_type3A_149 = arith.extui %lt3A_148 : vector<48x48xi1> to vector<48x48xi32>
    %convert_element_type3A_150 = arith.sitofp %convert_element_type3A_149 : vector<48x48xi32> to vector<48x48xf32>
    %mul3A_151 = arith.mulf %exp3A_108, %convert_element_type3A_150 : vector<48x48xf32>
    %reduce_sum3A_152 = arith.constant dense<0.000000e+00> : vector<48xf32>
    %reduce_sum3A_153 = vector.multi_reduction <add>, %mul3A_151, %reduce_sum3A_152 [1] : vector<48x48xf32> to vector<48xf32>
    %broadcast_in_dim3A_154 = vector.shape_cast %reduce_sum3A_153 : vector<48xf32> to vector<48x1xf32>
    %div3A_155 = vector.broadcast %get3A_2 : f32 to vector<48x1xf32>
    %div3A_156 = arith.divf %div3A_155, %broadcast_in_dim3A_154 : vector<48x1xf32>
    %mul3A_157 = vector.broadcast %div3A_156 : vector<48x1xf32> to vector<48x48xf32>
    %mul3A_158 = arith.mulf %convert_element_type3A_150, %mul3A_157 : vector<48x48xf32>
    %add3A_159 = arith.addf %add3A_145, %mul3A_158 : vector<48x48xf32>
    %lt3A_160 = arith.constant 3.600000e+01 : f32
    %lt3A_161 = vector.broadcast %lt3A_160 : f32 to vector<48x48xf32>
    %lt3A_162 = arith.cmpf olt, %concatenate3A_129, %lt3A_161 : vector<48x48xf32>
    %convert_element_type3A_163 = arith.extui %lt3A_162 : vector<48x48xi1> to vector<48x48xi32>
    %convert_element_type3A_164 = arith.sitofp %convert_element_type3A_163 : vector<48x48xi32> to vector<48x48xf32>
    %mul3A_165 = arith.mulf %exp3A_108, %convert_element_type3A_164 : vector<48x48xf32>
    %reduce_sum3A_166 = arith.constant dense<0.000000e+00> : vector<48xf32>
    %reduce_sum3A_167 = vector.multi_reduction <add>, %mul3A_165, %reduce_sum3A_166 [1] : vector<48x48xf32> to vector<48xf32>
    %broadcast_in_dim3A_168 = vector.shape_cast %reduce_sum3A_167 : vector<48xf32> to vector<48x1xf32>
    %div3A_169 = vector.broadcast %get3A_4 : f32 to vector<48x1xf32>
    %div3A_170 = arith.divf %div3A_169, %broadcast_in_dim3A_168 : vector<48x1xf32>
    %mul3A_171 = vector.broadcast %div3A_170 : vector<48x1xf32> to vector<48x48xf32>
    %mul3A_172 = arith.mulf %convert_element_type3A_164, %mul3A_171 : vector<48x48xf32>
    %add3A_173 = arith.addf %add3A_159, %mul3A_172 : vector<48x48xf32>
    %lt3A_174 = arith.constant 3.800000e+01 : f32
    %lt3A_175 = vector.broadcast %lt3A_174 : f32 to vector<48x48xf32>
    %lt3A_176 = arith.cmpf olt, %concatenate3A_129, %lt3A_175 : vector<48x48xf32>
    %convert_element_type3A_177 = arith.extui %lt3A_176 : vector<48x48xi1> to vector<48x48xi32>
    %convert_element_type3A_178 = arith.sitofp %convert_element_type3A_177 : vector<48x48xi32> to vector<48x48xf32>
    %mul3A_179 = arith.mulf %exp3A_108, %convert_element_type3A_178 : vector<48x48xf32>
    %reduce_sum3A_180 = arith.constant dense<0.000000e+00> : vector<48xf32>
    %reduce_sum3A_181 = vector.multi_reduction <add>, %mul3A_179, %reduce_sum3A_180 [1] : vector<48x48xf32> to vector<48xf32>
    %broadcast_in_dim3A_182 = vector.shape_cast %reduce_sum3A_181 : vector<48xf32> to vector<48x1xf32>
    %div3A_183 = vector.broadcast %get3A_6 : f32 to vector<48x1xf32>
    %div3A_184 = arith.divf %div3A_183, %broadcast_in_dim3A_182 : vector<48x1xf32>
    %mul3A_185 = vector.broadcast %div3A_184 : vector<48x1xf32> to vector<48x48xf32>
    %mul3A_186 = arith.mulf %convert_element_type3A_178, %mul3A_185 : vector<48x48xf32>
    %add3A_187 = arith.addf %add3A_173, %mul3A_186 : vector<48x48xf32>
    %mul3A_188 = arith.mulf %exp3A_108, %add3A_187 : vector<48x48xf32>
    %swap3A_189 = arith.constant 1 : index
    %swap3A_190 = arith.constant 0 : index
    %swap3A_191 = arith.constant 0 : index
    %swap3A_192 = vector.load %arg3[%swap3A_189, %swap3A_190, %swap3A_191] : memref<4x48x48xf32, #tpu.memory_space<vmem>>, vector<1x48x48xf32>
    %swap3A_193 = vector.shape_cast %swap3A_192 : vector<1x48x48xf32> to vector<48x48xf32>
    %swap3A_194 = vector.shape_cast %mul3A_188 : vector<48x48xf32> to vector<1x48x48xf32>
    tpu.vector_store %arg3[%swap3A_189, %swap3A_190, %swap3A_191], %swap3A_194 {strides = array<i32>} : memref<4x48x48xf32, #tpu.memory_space<vmem>>, vector<1x48x48xf32>,
    %get3A_195 = arith.constant 2 : index
    %get3A_196 = arith.constant 0 : index
    %get3A_197 = arith.constant 0 : index
    %get3A_198 = vector.load %arg2[%get3A_195, %get3A_196, %get3A_197] : memref<4x48x48xf32, #tpu.memory_space<vmem>>, vector<1x48x48xf32>
    %get3A_199 = vector.shape_cast %get3A_198 : vector<1x48x48xf32> to vector<48x48xf32>
    %get3A_200 = arith.constant 2 : index
    %get3A_201 = memref.load %arg0[%get3A_200] : memref<4xf32, #tpu.memory_space<smem>>
    %mul3A_202 = vector.broadcast %get3A_201 : f32 to vector<48x48xf32>
    %mul3A_203 = arith.mulf %get3A_199, %mul3A_202 : vector<48x48xf32>
    %reduce_max3A_204 = arith.constant dense<0xFF800000> : vector<48xf32>
    %reduce_max3A_205 = vector.multi_reduction <maximumf>, %mul3A_203, %reduce_max3A_204 [1] : vector<48x48xf32> to vector<48xf32>
    %broadcast_in_dim3A_206 = vector.shape_cast %reduce_max3A_205 : vector<48xf32> to vector<48x1xf32>
    %sub3A_207 = vector.broadcast %broadcast_in_dim3A_206 : vector<48x1xf32> to vector<48x48xf32>
    %sub3A_208 = arith.subf %mul3A_203, %sub3A_207 : vector<48x48xf32>
    %exp3A_209 = math.exp %sub3A_208 : vector<48x48xf32>
    %slice3A_210 = vector.extract_strided_slice %mul3A_203 {offsets = [0, 0], sizes = [48, 32], strides = [1, 1]} : vector<48x48xf32> to vector<48x32xf32>
    %broadcast_in_dim3A_211 = vector.shape_cast %mul3A_203 : vector<48x48xf32> to vector<48x1x48xf32>
    %broadcast_in_dim3A_212 = vector.shape_cast %slice3A_210 : vector<48x32xf32> to vector<48x32x1xf32>
    %gt3A_213 = vector.broadcast %broadcast_in_dim3A_211 : vector<48x1x48xf32> to vector<48x32x48xf32>
    %gt3A_214 = vector.broadcast %broadcast_in_dim3A_212 : vector<48x32x1xf32> to vector<48x32x48xf32>
    %gt3A_215 = arith.cmpf ogt, %gt3A_213, %gt3A_214 : vector<48x32x48xf32>
    %convert_element_type3A_216 = arith.extui %gt3A_215 : vector<48x32x48xi1> to vector<48x32x48xi32>
    %convert_element_type3A_217 = arith.sitofp %convert_element_type3A_216 : vector<48x32x48xi32> to vector<48x32x48xf32>
    %reduce_sum3A_218 = arith.constant dense<0.000000e+00> : vector<48x32xf32>
    %reduce_sum3A_219 = vector.multi_reduction <add>, %convert_element_type3A_217, %reduce_sum3A_218 [2] : vector<48x32x48xf32> to vector<48x32xf32>
    %slice3A_220 = vector.extract_strided_slice %mul3A_203 {offsets = [0, 32], sizes = [48, 16], strides = [1, 1]} : vector<48x48xf32> to vector<48x16xf32>
    %broadcast_in_dim3A_221 = vector.shape_cast %mul3A_203 : vector<48x48xf32> to vector<48x1x48xf32>
    %broadcast_in_dim3A_222 = vector.shape_cast %slice3A_220 : vector<48x16xf32> to vector<48x16x1xf32>
    %gt3A_223 = vector.broadcast %broadcast_in_dim3A_221 : vector<48x1x48xf32> to vector<48x16x48xf32>
    %gt3A_224 = vector.broadcast %broadcast_in_dim3A_222 : vector<48x16x1xf32> to vector<48x16x48xf32>
    %gt3A_225 = arith.cmpf ogt, %gt3A_223, %gt3A_224 : vector<48x16x48xf32>
    %convert_element_type3A_226 = arith.extui %gt3A_225 : vector<48x16x48xi1> to vector<48x16x48xi32>
    %convert_element_type3A_227 = arith.sitofp %convert_element_type3A_226 : vector<48x16x48xi32> to vector<48x16x48xf32>
    %reduce_sum3A_228 = arith.constant dense<0.000000e+00> : vector<48x16xf32>
    %reduce_sum3A_229 = vector.multi_reduction <add>, %convert_element_type3A_227, %reduce_sum3A_228 [2] : vector<48x16x48xf32> to vector<48x16xf32>
    %concatenate3A_230 = tpu.concatenate %reduce_sum3A_219, %reduce_sum3A_229 in 1 : vector<48x32xf32>, vector<48x16xf32> -> vector<48x48xf32>
    %broadcast_in_dim3A_231 = arith.constant 0.000000e+00 : f32
    %broadcast_in_dim3A_232 = vector.broadcast %broadcast_in_dim3A_231 : f32 to vector<48x48xf32>
    %lt3A_233 = arith.constant 2.400000e+01 : f32
    %lt3A_234 = vector.broadcast %lt3A_233 : f32 to vector<48x48xf32>
    %lt3A_235 = arith.cmpf olt, %concatenate3A_230, %lt3A_234 : vector<48x48xf32>
    %convert_element_type3A_236 = arith.extui %lt3A_235 : vector<48x48xi1> to vector<48x48xi32>
    %convert_element_type3A_237 = arith.sitofp %convert_element_type3A_236 : vector<48x48xi32> to vector<48x48xf32>
    %mul3A_238 = arith.mulf %exp3A_209, %convert_element_type3A_237 : vector<48x48xf32>
    %reduce_sum3A_239 = arith.constant dense<0.000000e+00> : vector<48xf32>
    %reduce_sum3A_240 = vector.multi_reduction <add>, %mul3A_238, %reduce_sum3A_239 [1] : vector<48x48xf32> to vector<48xf32>
    %broadcast_in_dim3A_241 = vector.shape_cast %reduce_sum3A_240 : vector<48xf32> to vector<48x1xf32>
    %div3A_242 = vector.broadcast %get3A_0 : f32 to vector<48x1xf32>
    %div3A_243 = arith.divf %div3A_242, %broadcast_in_dim3A_241 : vector<48x1xf32>
    %mul3A_244 = vector.broadcast %div3A_243 : vector<48x1xf32> to vector<48x48xf32>
    %mul3A_245 = arith.mulf %convert_element_type3A_237, %mul3A_244 : vector<48x48xf32>
    %add3A_246 = arith.addf %broadcast_in_dim3A_232, %mul3A_245 : vector<48x48xf32>
    %lt3A_247 = arith.constant 3.200000e+01 : f32
    %lt3A_248 = vector.broadcast %lt3A_247 : f32 to vector<48x48xf32>
    %lt3A_249 = arith.cmpf olt, %concatenate3A_230, %lt3A_248 : vector<48x48xf32>
    %convert_element_type3A_250 = arith.extui %lt3A_249 : vector<48x48xi1> to vector<48x48xi32>
    %convert_element_type3A_251 = arith.sitofp %convert_element_type3A_250 : vector<48x48xi32> to vector<48x48xf32>
    %mul3A_252 = arith.mulf %exp3A_209, %convert_element_type3A_251 : vector<48x48xf32>
    %reduce_sum3A_253 = arith.constant dense<0.000000e+00> : vector<48xf32>
    %reduce_sum3A_254 = vector.multi_reduction <add>, %mul3A_252, %reduce_sum3A_253 [1] : vector<48x48xf32> to vector<48xf32>
    %broadcast_in_dim3A_255 = vector.shape_cast %reduce_sum3A_254 : vector<48xf32> to vector<48x1xf32>
    %div3A_256 = vector.broadcast %get3A_2 : f32 to vector<48x1xf32>
    %div3A_257 = arith.divf %div3A_256, %broadcast_in_dim3A_255 : vector<48x1xf32>
    %mul3A_258 = vector.broadcast %div3A_257 : vector<48x1xf32> to vector<48x48xf32>
    %mul3A_259 = arith.mulf %convert_element_type3A_251, %mul3A_258 : vector<48x48xf32>
    %add3A_260 = arith.addf %add3A_246, %mul3A_259 : vector<48x48xf32>
    %lt3A_261 = arith.constant 3.600000e+01 : f32
    %lt3A_262 = vector.broadcast %lt3A_261 : f32 to vector<48x48xf32>
    %lt3A_263 = arith.cmpf olt, %concatenate3A_230, %lt3A_262 : vector<48x48xf32>
    %convert_element_type3A_264 = arith.extui %lt3A_263 : vector<48x48xi1> to vector<48x48xi32>
    %convert_element_type3A_265 = arith.sitofp %convert_element_type3A_264 : vector<48x48xi32> to vector<48x48xf32>
    %mul3A_266 = arith.mulf %exp3A_209, %convert_element_type3A_265 : vector<48x48xf32>
    %reduce_sum3A_267 = arith.constant dense<0.000000e+00> : vector<48xf32>
    %reduce_sum3A_268 = vector.multi_reduction <add>, %mul3A_266, %reduce_sum3A_267 [1] : vector<48x48xf32> to vector<48xf32>
    %broadcast_in_dim3A_269 = vector.shape_cast %reduce_sum3A_268 : vector<48xf32> to vector<48x1xf32>
    %div3A_270 = vector.broadcast %get3A_4 : f32 to vector<48x1xf32>
    %div3A_271 = arith.divf %div3A_270, %broadcast_in_dim3A_269 : vector<48x1xf32>
    %mul3A_272 = vector.broadcast %div3A_271 : vector<48x1xf32> to vector<48x48xf32>
    %mul3A_273 = arith.mulf %convert_element_type3A_265, %mul3A_272 : vector<48x48xf32>
    %add3A_274 = arith.addf %add3A_260, %mul3A_273 : vector<48x48xf32>
    %lt3A_275 = arith.constant 3.800000e+01 : f32
    %lt3A_276 = vector.broadcast %lt3A_275 : f32 to vector<48x48xf32>
    %lt3A_277 = arith.cmpf olt, %concatenate3A_230, %lt3A_276 : vector<48x48xf32>
    %convert_element_type3A_278 = arith.extui %lt3A_277 : vector<48x48xi1> to vector<48x48xi32>
    %convert_element_type3A_279 = arith.sitofp %convert_element_type3A_278 : vector<48x48xi32> to vector<48x48xf32>
    %mul3A_280 = arith.mulf %exp3A_209, %convert_element_type3A_279 : vector<48x48xf32>
    %reduce_sum3A_281 = arith.constant dense<0.000000e+00> : vector<48xf32>
    %reduce_sum3A_282 = vector.multi_reduction <add>, %mul3A_280, %reduce_sum3A_281 [1] : vector<48x48xf32> to vector<48xf32>
    %broadcast_in_dim3A_283 = vector.shape_cast %reduce_sum3A_282 : vector<48xf32> to vector<48x1xf32>
    %div3A_284 = vector.broadcast %get3A_6 : f32 to vector<48x1xf32>
    %div3A_285 = arith.divf %div3A_284, %broadcast_in_dim3A_283 : vector<48x1xf32>
    %mul3A_286 = vector.broadcast %div3A_285 : vector<48x1xf32> to vector<48x48xf32>
    %mul3A_287 = arith.mulf %convert_element_type3A_279, %mul3A_286 : vector<48x48xf32>
    %add3A_288 = arith.addf %add3A_274, %mul3A_287 : vector<48x48xf32>
    %mul3A_289 = arith.mulf %exp3A_209, %add3A_288 : vector<48x48xf32>
    %swap3A_290 = arith.constant 2 : index
    %swap3A_291 = arith.constant 0 : index
    %swap3A_292 = arith.constant 0 : index
    %swap3A_293 = vector.load %arg3[%swap3A_290, %swap3A_291, %swap3A_292] : memref<4x48x48xf32, #tpu.memory_space<vmem>>, vector<1x48x48xf32>
    %swap3A_294 = vector.shape_cast %swap3A_293 : vector<1x48x48xf32> to vector<48x48xf32>
    %swap3A_295 = vector.shape_cast %mul3A_289 : vector<48x48xf32> to vector<1x48x48xf32>
    tpu.vector_store %arg3[%swap3A_290, %swap3A_291, %swap3A_292], %swap3A_295 {strides = array<i32>} : memref<4x48x48xf32, #tpu.memory_space<vmem>>, vector<1x48x48xf32>,
    %get3A_296 = arith.constant 3 : index
    %get3A_297 = arith.constant 0 : index
    %get3A_298 = arith.constant 0 : index
    %get3A_299 = vector.load %arg2[%get3A_296, %get3A_297, %get3A_298] : memref<4x48x48xf32, #tpu.memory_space<vmem>>, vector<1x48x48xf32>
    %get3A_300 = vector.shape_cast %get3A_299 : vector<1x48x48xf32> to vector<48x48xf32>
    %get3A_301 = arith.constant 3 : index
    %get3A_302 = memref.load %arg0[%get3A_301] : memref<4xf32, #tpu.memory_space<smem>>
    %mul3A_303 = vector.broadcast %get3A_302 : f32 to vector<48x48xf32>
    %mul3A_304 = arith.mulf %get3A_300, %mul3A_303 : vector<48x48xf32>
    %reduce_max3A_305 = arith.constant dense<0xFF800000> : vector<48xf32>
    %reduce_max3A_306 = vector.multi_reduction <maximumf>, %mul3A_304, %reduce_max3A_305 [1] : vector<48x48xf32> to vector<48xf32>
    %broadcast_in_dim3A_307 = vector.shape_cast %reduce_max3A_306 : vector<48xf32> to vector<48x1xf32>
    %sub3A_308 = vector.broadcast %broadcast_in_dim3A_307 : vector<48x1xf32> to vector<48x48xf32>
    %sub3A_309 = arith.subf %mul3A_304, %sub3A_308 : vector<48x48xf32>
    %exp3A_310 = math.exp %sub3A_309 : vector<48x48xf32>
    %slice3A_311 = vector.extract_strided_slice %mul3A_304 {offsets = [0, 0], sizes = [48, 32], strides = [1, 1]} : vector<48x48xf32> to vector<48x32xf32>
    %broadcast_in_dim3A_312 = vector.shape_cast %mul3A_304 : vector<48x48xf32> to vector<48x1x48xf32>
    %broadcast_in_dim3A_313 = vector.shape_cast %slice3A_311 : vector<48x32xf32> to vector<48x32x1xf32>
    %gt3A_314 = vector.broadcast %broadcast_in_dim3A_312 : vector<48x1x48xf32> to vector<48x32x48xf32>
    %gt3A_315 = vector.broadcast %broadcast_in_dim3A_313 : vector<48x32x1xf32> to vector<48x32x48xf32>
    %gt3A_316 = arith.cmpf ogt, %gt3A_314, %gt3A_315 : vector<48x32x48xf32>
    %convert_element_type3A_317 = arith.extui %gt3A_316 : vector<48x32x48xi1> to vector<48x32x48xi32>
    %convert_element_type3A_318 = arith.sitofp %convert_element_type3A_317 : vector<48x32x48xi32> to vector<48x32x48xf32>
    %reduce_sum3A_319 = arith.constant dense<0.000000e+00> : vector<48x32xf32>
    %reduce_sum3A_320 = vector.multi_reduction <add>, %convert_element_type3A_318, %reduce_sum3A_319 [2] : vector<48x32x48xf32> to vector<48x32xf32>
    %slice3A_321 = vector.extract_strided_slice %mul3A_304 {offsets = [0, 32], sizes = [48, 16], strides = [1, 1]} : vector<48x48xf32> to vector<48x16xf32>
    %broadcast_in_dim3A_322 = vector.shape_cast %mul3A_304 : vector<48x48xf32> to vector<48x1x48xf32>
    %broadcast_in_dim3A_323 = vector.shape_cast %slice3A_321 : vector<48x16xf32> to vector<48x16x1xf32>
    %gt3A_324 = vector.broadcast %broadcast_in_dim3A_322 : vector<48x1x48xf32> to vector<48x16x48xf32>
    %gt3A_325 = vector.broadcast %broadcast_in_dim3A_323 : vector<48x16x1xf32> to vector<48x16x48xf32>
    %gt3A_326 = arith.cmpf ogt, %gt3A_324, %gt3A_325 : vector<48x16x48xf32>
    %convert_element_type3A_327 = arith.extui %gt3A_326 : vector<48x16x48xi1> to vector<48x16x48xi32>
    %convert_element_type3A_328 = arith.sitofp %convert_element_type3A_327 : vector<48x16x48xi32> to vector<48x16x48xf32>
    %reduce_sum3A_329 = arith.constant dense<0.000000e+00> : vector<48x16xf32>
    %reduce_sum3A_330 = vector.multi_reduction <add>, %convert_element_type3A_328, %reduce_sum3A_329 [2] : vector<48x16x48xf32> to vector<48x16xf32>
    %concatenate3A_331 = tpu.concatenate %reduce_sum3A_320, %reduce_sum3A_330 in 1 : vector<48x32xf32>, vector<48x16xf32> -> vector<48x48xf32>
    %broadcast_in_dim3A_332 = arith.constant 0.000000e+00 : f32
    %broadcast_in_dim3A_333 = vector.broadcast %broadcast_in_dim3A_332 : f32 to vector<48x48xf32>
    %lt3A_334 = arith.constant 2.400000e+01 : f32
    %lt3A_335 = vector.broadcast %lt3A_334 : f32 to vector<48x48xf32>
    %lt3A_336 = arith.cmpf olt, %concatenate3A_331, %lt3A_335 : vector<48x48xf32>
    %convert_element_type3A_337 = arith.extui %lt3A_336 : vector<48x48xi1> to vector<48x48xi32>
    %convert_element_type3A_338 = arith.sitofp %convert_element_type3A_337 : vector<48x48xi32> to vector<48x48xf32>
    %mul3A_339 = arith.mulf %exp3A_310, %convert_element_type3A_338 : vector<48x48xf32>
    %reduce_sum3A_340 = arith.constant dense<0.000000e+00> : vector<48xf32>
    %reduce_sum3A_341 = vector.multi_reduction <add>, %mul3A_339, %reduce_sum3A_340 [1] : vector<48x48xf32> to vector<48xf32>
    %broadcast_in_dim3A_342 = vector.shape_cast %reduce_sum3A_341 : vector<48xf32> to vector<48x1xf32>
    %div3A_343 = vector.broadcast %get3A_0 : f32 to vector<48x1xf32>
    %div3A_344 = arith.divf %div3A_343, %broadcast_in_dim3A_342 : vector<48x1xf32>
    %mul3A_345 = vector.broadcast %div3A_344 : vector<48x1xf32> to vector<48x48xf32>
    %mul3A_346 = arith.mulf %convert_element_type3A_338, %mul3A_345 : vector<48x48xf32>
    %add3A_347 = arith.addf %broadcast_in_dim3A_333, %mul3A_346 : vector<48x48xf32>
    %lt3A_348 = arith.constant 3.200000e+01 : f32
    %lt3A_349 = vector.broadcast %lt3A_348 : f32 to vector<48x48xf32>
    %lt3A_350 = arith.cmpf olt, %concatenate3A_331, %lt3A_349 : vector<48x48xf32>
    %convert_element_type3A_351 = arith.extui %lt3A_350 : vector<48x48xi1> to vector<48x48xi32>
    %convert_element_type3A_352 = arith.sitofp %convert_element_type3A_351 : vector<48x48xi32> to vector<48x48xf32>
    %mul3A_353 = arith.mulf %exp3A_310, %convert_element_type3A_352 : vector<48x48xf32>
    %reduce_sum3A_354 = arith.constant dense<0.000000e+00> : vector<48xf32>
    %reduce_sum3A_355 = vector.multi_reduction <add>, %mul3A_353, %reduce_sum3A_354 [1] : vector<48x48xf32> to vector<48xf32>
    %broadcast_in_dim3A_356 = vector.shape_cast %reduce_sum3A_355 : vector<48xf32> to vector<48x1xf32>
    %div3A_357 = vector.broadcast %get3A_2 : f32 to vector<48x1xf32>
    %div3A_358 = arith.divf %div3A_357, %broadcast_in_dim3A_356 : vector<48x1xf32>
    %mul3A_359 = vector.broadcast %div3A_358 : vector<48x1xf32> to vector<48x48xf32>
    %mul3A_360 = arith.mulf %convert_element_type3A_352, %mul3A_359 : vector<48x48xf32>
    %add3A_361 = arith.addf %add3A_347, %mul3A_360 : vector<48x48xf32>
    %lt3A_362 = arith.constant 3.600000e+01 : f32
    %lt3A_363 = vector.broadcast %lt3A_362 : f32 to vector<48x48xf32>
    %lt3A_364 = arith.cmpf olt, %concatenate3A_331, %lt3A_363 : vector<48x48xf32>
    %convert_element_type3A_365 = arith.extui %lt3A_364 : vector<48x48xi1> to vector<48x48xi32>
    %convert_element_type3A_366 = arith.sitofp %convert_element_type3A_365 : vector<48x48xi32> to vector<48x48xf32>
    %mul3A_367 = arith.mulf %exp3A_310, %convert_element_type3A_366 : vector<48x48xf32>
    %reduce_sum3A_368 = arith.constant dense<0.000000e+00> : vector<48xf32>
    %reduce_sum3A_369 = vector.multi_reduction <add>, %mul3A_367, %reduce_sum3A_368 [1] : vector<48x48xf32> to vector<48xf32>
    %broadcast_in_dim3A_370 = vector.shape_cast %reduce_sum3A_369 : vector<48xf32> to vector<48x1xf32>
    %div3A_371 = vector.broadcast %get3A_4 : f32 to vector<48x1xf32>
    %div3A_372 = arith.divf %div3A_371, %broadcast_in_dim3A_370 : vector<48x1xf32>
    %mul3A_373 = vector.broadcast %div3A_372 : vector<48x1xf32> to vector<48x48xf32>
    %mul3A_374 = arith.mulf %convert_element_type3A_366, %mul3A_373 : vector<48x48xf32>
    %add3A_375 = arith.addf %add3A_361, %mul3A_374 : vector<48x48xf32>
    %lt3A_376 = arith.constant 3.800000e+01 : f32
    %lt3A_377 = vector.broadcast %lt3A_376 : f32 to vector<48x48xf32>
    %lt3A_378 = arith.cmpf olt, %concatenate3A_331, %lt3A_377 : vector<48x48xf32>
    %convert_element_type3A_379 = arith.extui %lt3A_378 : vector<48x48xi1> to vector<48x48xi32>
    %convert_element_type3A_380 = arith.sitofp %convert_element_type3A_379 : vector<48x48xi32> to vector<48x48xf32>
    %mul3A_381 = arith.mulf %exp3A_310, %convert_element_type3A_380 : vector<48x48xf32>
    %reduce_sum3A_382 = arith.constant dense<0.000000e+00> : vector<48xf32>
    %reduce_sum3A_383 = vector.multi_reduction <add>, %mul3A_381, %reduce_sum3A_382 [1] : vector<48x48xf32> to vector<48xf32>
    %broadcast_in_dim3A_384 = vector.shape_cast %reduce_sum3A_383 : vector<48xf32> to vector<48x1xf32>
    %div3A_385 = vector.broadcast %get3A_6 : f32 to vector<48x1xf32>
    %div3A_386 = arith.divf %div3A_385, %broadcast_in_dim3A_384 : vector<48x1xf32>
    %mul3A_387 = vector.broadcast %div3A_386 : vector<48x1xf32> to vector<48x48xf32>
    %mul3A_388 = arith.mulf %convert_element_type3A_380, %mul3A_387 : vector<48x48xf32>
    %add3A_389 = arith.addf %add3A_375, %mul3A_388 : vector<48x48xf32>
    %mul3A_390 = arith.mulf %exp3A_310, %add3A_389 : vector<48x48xf32>
    %swap3A_391 = arith.constant 3 : index
    %swap3A_392 = arith.constant 0 : index
    %swap3A_393 = arith.constant 0 : index
    %swap3A_394 = vector.load %arg3[%swap3A_391, %swap3A_392, %swap3A_393] : memref<4x48x48xf32, #tpu.memory_space<vmem>>, vector<1x48x48xf32>
    %swap3A_395 = vector.shape_cast %swap3A_394 : vector<1x48x48xf32> to vector<48x48xf32>
    %swap3A_396 = vector.shape_cast %mul3A_390 : vector<48x48xf32> to vector<1x48x48xf32>
    tpu.vector_store %arg3[%swap3A_391, %swap3A_392, %swap3A_393], %swap3A_396 {strides = array<i32>} : memref<4x48x48xf32, #tpu.memory_space<vmem>>, vector<1x48x48xf32>,
    return
  }
}

module attributes {stable_mosaic.version = 14 : i64} {
  func.func @_out_kernel(%arg0: i32, %arg1: memref<4x48x48xf32, #tpu.memory_space<vmem>>, %arg2: memref<192x192xbf16, #tpu.memory_space<vmem>>, %arg3: memref<192x1024xf32, #tpu.memory_space<vmem>>, %arg4: memref<192x1024xf32, #tpu.memory_space<vmem>>, %arg5: memref<192x1024xf32, #tpu.memory_space<vmem>>) attributes {dimension_semantics = [#tpu.dimension_semantics<arbitrary>], iteration_bounds = array<i64: 49>, scalar_prefetch = 0 : i64, scratch_operands = 0 : i64, tpu.core_type = #tpu.core_type<tc>, window_params = [{pipeline_mode = #tpu.pipeline_mode<synchronous>, transform_indices = @transform_0, window_bounds = array<i64: 4, 48, 48>}, {pipeline_mode = #tpu.pipeline_mode<synchronous>, transform_indices = @transform_1, window_bounds = array<i64: 192, 192>}, {transform_indices = @transform_2, window_bounds = array<i64: 192, 1024>}, {transform_indices = @transform_3, window_bounds = array<i64: 192, 1024>}, {transform_indices = @transform_4, window_bounds = array<i64: 192, 1024>}]} {
    %get3A = arith.constant 0 : index
    %get3A_0 = arith.constant 0 : index
    %get3A_1 = vector.load %arg3[%get3A, %get3A_0] : memref<192x1024xf32, #tpu.memory_space<vmem>>, vector<192x1024xf32>
    %convert_element_type3A = arith.truncf %get3A_1 : vector<192x1024xf32> to vector<192x1024xbf16>
    %get3A_2 = arith.constant 0 : index
    %get3A_3 = arith.constant 0 : index
    %get3A_4 = arith.constant 0 : index
    %get3A_5 = vector.load %arg1[%get3A_2, %get3A_3, %get3A_4] : memref<4x48x48xf32, #tpu.memory_space<vmem>>, vector<1x48x48xf32>
    %get3A_6 = vector.shape_cast %get3A_5 : vector<1x48x48xf32> to vector<48x48xf32>
    %convert_element_type3A_7 = arith.truncf %get3A_6 : vector<48x48xf32> to vector<48x48xbf16>
    %slice3A = vector.extract_strided_slice %convert_element_type3A {offsets = [0, 0], sizes = [48, 1024], strides = [1, 1]} : vector<192x1024xbf16> to vector<48x1024xbf16>
    %dot_general3A = arith.constant dense<0.000000e+00> : vector<48x1024xf32>
    %dot_general3A_8 = tpu.matmul %convert_element_type3A_7, %slice3A, %dot_general3A {dimension_numbers = #tpu.dot_dimension_numbers<[1], [0], [0], [1], [0, 0, 1, 1], [], []>, transpose_lhs_hint = false} : vector<48x48xbf16>, vector<48x1024xbf16>, vector<48x1024xf32> -> vector<48x1024xf32>
    %get3A_9 = arith.constant 1 : index
    %get3A_10 = arith.constant 0 : index
    %get3A_11 = arith.constant 0 : index
    %get3A_12 = vector.load %arg1[%get3A_9, %get3A_10, %get3A_11] : memref<4x48x48xf32, #tpu.memory_space<vmem>>, vector<1x48x48xf32>
    %get3A_13 = vector.shape_cast %get3A_12 : vector<1x48x48xf32> to vector<48x48xf32>
    %convert_element_type3A_14 = arith.truncf %get3A_13 : vector<48x48xf32> to vector<48x48xbf16>
    %slice3A_15 = vector.extract_strided_slice %convert_element_type3A {offsets = [48, 0], sizes = [48, 1024], strides = [1, 1]} : vector<192x1024xbf16> to vector<48x1024xbf16>
    %dot_general3A_16 = arith.constant dense<0.000000e+00> : vector<48x1024xf32>
    %dot_general3A_17 = tpu.matmul %convert_element_type3A_14, %slice3A_15, %dot_general3A_16 {dimension_numbers = #tpu.dot_dimension_numbers<[1], [0], [0], [1], [0, 0, 1, 1], [], []>, transpose_lhs_hint = false} : vector<48x48xbf16>, vector<48x1024xbf16>, vector<48x1024xf32> -> vector<48x1024xf32>
    %get3A_18 = arith.constant 2 : index
    %get3A_19 = arith.constant 0 : index
    %get3A_20 = arith.constant 0 : index
    %get3A_21 = vector.load %arg1[%get3A_18, %get3A_19, %get3A_20] : memref<4x48x48xf32, #tpu.memory_space<vmem>>, vector<1x48x48xf32>
    %get3A_22 = vector.shape_cast %get3A_21 : vector<1x48x48xf32> to vector<48x48xf32>
    %convert_element_type3A_23 = arith.truncf %get3A_22 : vector<48x48xf32> to vector<48x48xbf16>
    %slice3A_24 = vector.extract_strided_slice %convert_element_type3A {offsets = [96, 0], sizes = [48, 1024], strides = [1, 1]} : vector<192x1024xbf16> to vector<48x1024xbf16>
    %dot_general3A_25 = arith.constant dense<0.000000e+00> : vector<48x1024xf32>
    %dot_general3A_26 = tpu.matmul %convert_element_type3A_23, %slice3A_24, %dot_general3A_25 {dimension_numbers = #tpu.dot_dimension_numbers<[1], [0], [0], [1], [0, 0, 1, 1], [], []>, transpose_lhs_hint = false} : vector<48x48xbf16>, vector<48x1024xbf16>, vector<48x1024xf32> -> vector<48x1024xf32>
    %get3A_27 = arith.constant 3 : index
    %get3A_28 = arith.constant 0 : index
    %get3A_29 = arith.constant 0 : index
    %get3A_30 = vector.load %arg1[%get3A_27, %get3A_28, %get3A_29] : memref<4x48x48xf32, #tpu.memory_space<vmem>>, vector<1x48x48xf32>
    %get3A_31 = vector.shape_cast %get3A_30 : vector<1x48x48xf32> to vector<48x48xf32>
    %convert_element_type3A_32 = arith.truncf %get3A_31 : vector<48x48xf32> to vector<48x48xbf16>
    %slice3A_33 = vector.extract_strided_slice %convert_element_type3A {offsets = [144, 0], sizes = [48, 1024], strides = [1, 1]} : vector<192x1024xbf16> to vector<48x1024xbf16>
    %dot_general3A_34 = arith.constant dense<0.000000e+00> : vector<48x1024xf32>
    %dot_general3A_35 = tpu.matmul %convert_element_type3A_32, %slice3A_33, %dot_general3A_34 {dimension_numbers = #tpu.dot_dimension_numbers<[1], [0], [0], [1], [0, 0, 1, 1], [], []>, transpose_lhs_hint = false} : vector<48x48xbf16>, vector<48x1024xbf16>, vector<48x1024xf32> -> vector<48x1024xf32>
    %concatenate3A = tpu.concatenate %dot_general3A_8, %dot_general3A_17, %dot_general3A_26, %dot_general3A_35 in 0 : vector<48x1024xf32>, vector<48x1024xf32>, vector<48x1024xf32>, vector<48x1024xf32> -> vector<192x1024xf32>
    %get3A_36 = arith.constant 0 : index
    %get3A_37 = arith.constant 0 : index
    %get3A_38 = vector.load %arg4[%get3A_36, %get3A_37] : memref<192x1024xf32, #tpu.memory_space<vmem>>, vector<192x1024xf32>
    %add3A = arith.addf %concatenate3A, %get3A_38 : vector<192x1024xf32>
    %get3A_39 = arith.constant 0 : index
    %get3A_40 = arith.constant 0 : index
    %get3A_41 = vector.load %arg2[%get3A_39, %get3A_40] : memref<192x192xbf16, #tpu.memory_space<vmem>>, vector<192x192xbf16>
    %convert_element_type3A_42 = arith.truncf %add3A : vector<192x1024xf32> to vector<192x1024xbf16>
    %dot_general3A_43 = arith.constant dense<0.000000e+00> : vector<192x1024xf32>
    %dot_general3A_44 = tpu.matmul %get3A_41, %convert_element_type3A_42, %dot_general3A_43 {dimension_numbers = #tpu.dot_dimension_numbers<[1], [0], [0], [1], [0, 0, 1, 1], [], []>, transpose_lhs_hint = false} : vector<192x192xbf16>, vector<192x1024xbf16>, vector<192x1024xf32> -> vector<192x1024xf32>
    %swap3A = arith.constant 0 : index
    %swap3A_45 = arith.constant 0 : index
    %swap3A_46 = vector.load %arg5[%swap3A, %swap3A_45] : memref<192x1024xf32, #tpu.memory_space<vmem>>, vector<192x1024xf32>
    tpu.vector_store %arg5[%swap3A, %swap3A_45], %dot_general3A_44 {strides = array<i32>} : memref<192x1024xf32, #tpu.memory_space<vmem>>, vector<192x1024xf32>,
    return
  }
  func.func @transform_0(%arg0: i32) -> (i32, i32, i32) {
    %c0_i32 = arith.constant 0 : i32
    %c0_i32_0 = arith.constant 0 : i32
    %c0_i32_1 = arith.constant 0 : i32
    %c0_i32_2 = arith.constant 0 : i32
    return %c0_i32, %c0_i32_0, %c0_i32_1 : i32, i32, i32
  }
  func.func @transform_1(%arg0: i32) -> (i32, i32) {
    %c0_i32 = arith.constant 0 : i32
    %c0_i32_0 = arith.constant 0 : i32
    %c0_i32_1 = arith.constant 0 : i32
    return %c0_i32, %c0_i32_0 : i32, i32
  }
  func.func @transform_2(%arg0: i32) -> (i32, i32) {
    %c2_i32 = arith.constant 2 : i32
    %c0_i32 = arith.constant 0 : i32
    return %c2_i32, %arg0 : i32, i32
  }
  func.func @transform_3(%arg0: i32) -> (i32, i32) {
    %c0_i32 = arith.constant 0 : i32
    %c0_i32_0 = arith.constant 0 : i32
    return %c0_i32, %arg0 : i32, i32
  }
  func.func @transform_4(%arg0: i32) -> (i32, i32) {
    %c0_i32 = arith.constant 0 : i32
    %c0_i32_0 = arith.constant 0 : i32
    return %c0_i32, %arg0 : i32, i32
  }
}

</mosaic_0001>

<sc_bundles>
// kernel: sparse-core-data-format-call.1.cloned.1.call-start
scs
called_computation.1_lowered:
.L_overlay_start_0:
0x0: {  	s1 =	sld [smem:$0x3FD9]  }
0x1: {  	s2 =	sld [smem:$0x3FFE];
	_ =	sdelay $0x1  }
0x2: {  	s3 =	srdreg.scid  }
0x3: {  	s0 =	sand.u32 $0x1, s3  }
0x4: {  	s17 =	sshll.u32 s0, $0xA;
	s1 =	sadd.s32 s2, s1  }
0x5: {  	s1 =	sadd.s32 s1, s17  }
0x6: {  	[smem:$0x3FBF] =	sst s1  }
0x7: {  	_ = 	snop  }
0x8: {  	(tm) =	ssettm $0x1  }
0x9: {  	s18 =	sld [smem:$0x3FFB];
	_ =	sdelay $0x3  }
0xa: {  	_ =	strace s18  }
0xb: {  	s1 =	sld [smem:$0x3FFC];
	_ =	sdelay $0x3  }
0xc: {  	_ =	strace s1  }
0xd: {  	s1 =	sld [smem:$0x3FFD];
	_ =	sdelay $0x3  }
0xe: {  	_ =	strace s1  }
0xf: {  	_ =	strace $0x8FFFFFFF  }
0x10: {  	s19 =	sld [smem:$0x3FDB];
	_ =	sdelay $0x1  }
0x11: {  	s20 =	simm.s32 $_scs_section_size  }
0x12: {  	s4 =	simm.s32 $_size__tile_overlayer_lowered;
	s5 =	simm.s32 $_tile_overlayer_lowered  }
0x13: {  	s23 =	simm.s32 $0x1BFF;
	s22 =	sshll.u32 s5, $0x1;
	s1 =	sadd.s32 s20, s19  }
0x14: {  	s6 =	simm.s32 $0x0;
	s21 =	sshll.u32 s4, $0x1;
	s4 =	sadd.s32 s22, s1  }
0x15: {  	[timem:s6], [sflag:s23] =	dma.local [hbm:s4], s21  }
0x16: {  	_ =	swait.ge [sflag:s23], s21  }
0x17: {  	s2 =	ssub.s32 $0x0, s21;
	[sflag:s23] =	ssyncset.done $0x0  }
0x18: {  	[sflag:s23] =	ssyncadd.s32 s2;
	_ =	sdelay $0x1  }
0x19: {  	s24 =	simm.s32 $0x1B8B  }
0x1a: {  	_ =	swait.ge [sflag:s24], $0x1  }
0x1b: {  	[sflag:s24] =	ssyncset.done $0x0  }
0x1c: {  	s26 =	simm.s32 $0x1B8E;
	s25 =	sld [smem:$0x3FFE];
	[sflag:s24] =	ssyncadd.s32 $0xFFFFFFFF  }
0x1d: {  	s27 =	simm.s32 $execute0_lowered;
	[smem:$0x3FD2] =	sst s26  }
0x1e: {  	s4 =	sshll.u32 s27, $0x1;
	_ =	strace $0x80000046;
	[dreg:$0x1] =	wrdreg $0xFFFFFFFF  }
0x1f: {  	s28 =	simm.s32 $_size_execute0_lowered;
	s1 =	sadd.s32 s1, s4;
	[dreg:$0x0] =	wrdreg $0x0  }
0x20: {  	s4 =	sshll.u32 s28, $0x1;
	[dreg:$0x2] =	wrdreg s1  }
0x21: {  	[dreg:$0x3] =	wrdreg s4  }
0x22: {  	[dreg:$0x4] =	wrdreg $0xC0  }
0x23: {  	_ =	task [dreg:s6], $0x5FFFF  }
0x24: {  	[dreg:$0x1] =	wrdreg $0xFFFFFFFF  }
0x25: {  	[dreg:$0x0] =	wrdreg $0x60  }
0x26: {  	[dreg:$0x2] =	wrdreg s25  }
0x27: {  	[dreg:$0x3] =	wrdreg $0x9  }
0x28: {  	_ =	task.clear_ibuf [dreg:s6], $0x4FFFF;
	_ =	strace $0x90000046  }
0x29: {  	s29 =	simm.s32 $0x9;
	_ =	strace $0x80000048  }
0x2a: {  	_ =	swait.ge [sflag:s29], $0x1  }
0x2b: {  	[sflag:s29] =	ssyncadd.s32 $0xFFFFFFFF  }
0x2c: {  	_ =	strace $0x90000048  }
0x2d: {  	_ =	sfence  }
0x2e: {  	s30 =	sld [smem:$0x0];
	_ =	sdelay $0x2  }
0x2f: {  	s31 =	sshll.u32 s3, $0xD;
	s3 =	sshrl.u32 s3, $0x2  }
0x30: {  	s2 =	sand.u32 $0x4000, s31;
	s1 =	sadd.s32 s3, s30  }
0x31: {  	s0 =	sor.u32 s2, s0;
	s1 =	sshll.u32 s1, $0x11  }
0x32: {  	s0 =	sor.u32 s1, s0  }
0x33: {  	s0 =	sadd.s32 $0x8F2B, s0  }
0x34: {  	[sflag:s0] =	ssyncadd.remote.s32 $0x1  }
0x35: {  	_ =	sfence.sel $0xFFFF  }
0x36: {  	[dreg:$0x0] =	wrdreg $0xFFFFFFFF;
	(pc) =	sbr.abs _section_cstart, $3  }
0x37: {  	[dreg:$0x1] =	wrdreg $0xFFFFFFFF  }
0x38: {  	_ =	task.clear_ibuf [dreg:s6], $0x2FFFF;
	_ =	strace $0x9FFFFFFF  }
0x39: {  	(tm) =	ssettm $0x7FFFFFFF  }
tec
execute0_lowered:
.L_overlay_start_1:
0x0: {  	(tag) =	ssettag $0x1  }
0x1: {  	s0 =	srdreg.scid;
	s3 =	stileid.u32  }
0x2: {  	s1 =	rddreg [dreg:$0x0];
	_ =	strace $0x80000047;
	s5 =	simm.s32 $0x1  }
0x3: {  	s21 =	simm.s32 $0x2;
	p0 =	por $0x0, $0x0;
	s16 =	simm.s32 $0x40  }
0x4: {  	s17 =	simm.s32 $0x600;
	s27 =	simm.s32 $0x0;
	s28 =	simm.s32 $0x0  }
0x5: {  	s29 =	simm.s32 $0x0;
	s30 =	simm.s32 $0x0;
	s0 =	sshll.u32 s0, $0x4  }
0x6: {  	s19 =	simm.s32 $0x0;
	s20 =	simm.s32 $0x0;
	s0 =	sand.u32 $0x10, s0  }
0x7: {  	s4 =	sand.u32 $0x7, s3;
	[sflag:s5] =	ssyncpa.u1 $0x0;
	s0 =	sor.u32 s3, s0  }
0x8: {  	[sflag:s21] =	ssyncpa.u1 $0x0;
	s3 =	ssub.s32 $0x23, s4;
	s2 =	sshrl.u32 s0, $0x3  }
0x9: {  	s21 =	simm.s32 $0x0;
	s22 =	sshrl.u32 s3, $0x3;
	s0 =	sshll.u32 s2, $0x4  }
0xa: {  	s7 =	smul.u32 $0x15, s22;
	s0 =	sadd.s32 s0, s1;
	s1 =	sadd.s32 $0x14A6800, s1  }
0xb: {  	s22 =	simm.s32 $0x0;
	[dreg:$0x2] =	wrdreg s1;
	s23 =	sadd.s32 $0xB76800, s0  }
0xc: {  	s24 =	sadd.s32 $0xB81000, s0;
	s25 =	sadd.s32 $0xB8B800, s0;
	[dreg:$0x3] =	wrdreg s23  }
.Ltmp0:
0xd: {  	s26 =	sadd.s32 $0xB96000, s0;
	[dreg:$0x4] =	wrdreg s24;
	(pc) =	sbr.rel .LBB1_1-.Ltmp0, $4  }
0xe: {  	s31 =	sadd.s32 $0xBA0800, s0;
	s12 =	sadd.s32 $0xBAB000, s0;
	[dreg:$0x5] =	wrdreg s25  }
0xf: {  	s13 =	sadd.s32 $0xBB5800, s0;
	s14 =	sadd.s32 $0xBC0000, s0;
	[dreg:$0x6] =	wrdreg s26  }
0x10: {  	s15 =	sadd.s32 $0x1, s7;
	[dreg:$0x7] =	wrdreg s31;
	s25 =	simm.s32 $0x0  }
0x11: {  	s26 =	simm.s32 $0x0;
	s23 =	smov.u32 s4;
	s24 =	simm.s32 $0x0  }
.LBB1_11:
0x12: {  	s0 =	sadd.s32 $0x1, s19  }
0x13: {  	s1 =	sadd.s32 $0x8, s20;
	s3 =	smov.u32 s20;
	p2 =	sgt.s32 s0, $0x2  }
0x14: {  	s3 =	smov.u32 @p2 s1  }
0x15: {  	s6 =	smov.u32 s21;
	s1 =	sadd.s32 $0x4, s21;
	p3 =	sgt.s32 s3, $0x7  }
0x16: {  	s8 =	smov.u32 s22;
	s6 =	smov.u32 @p3 s1  }
0x17: {  	p1 =	slt.u32 s24, $0x2;
	s1 =	sadd.s32 $0x8, s22;
	p4 =	sgt.s32 s6, $0x1B  }
0x18: {  	s9 =	smov.u32 s23;
	s27 =	smov.u32 s19;
	s8 =	smov.u32 @p4 s1  }
0x19: {  	s26 =	smov.u32 s20;
	s1 =	sadd.s32 $0x8, s23;
	p5 =	sgt.s32 s8, $0x7  }
0x1a: {  	s28 =	smov.u32 s21;
	s29 =	smov.u32 s22;
	s9 =	smov.u32 @p5 s1  }
0x1b: {  	s30 =	smov.u32 s23;
	s0 =	simm.s32 @p2 $0x0;
	p2 =	sgt.s32 s9, $0x1B  }
0x1c: {  	p0 =	por !p0, !p0;
	s9 =	smov.u32 @p2 s4;
	p2 =	sne.s32 s24, s15  }
.Ltmp1:
0x1d: {  	s25 =	smov.u32 s2;
	s3 =	simm.s32 @p3 $0x0;
	(pc) =	sbr.rel @!p2 .LBB1_12-.Ltmp1, $4  }
0x1e: {  	s19 =	smov.u32 s0;
	s20 =	smov.u32 s3;
	s1 =	simm.s32 @!p1 $0x2  }
0x1f: {  	s6 =	simm.s32 @p4 $0x0;
	s8 =	simm.s32 @p5 $0x0;
	_ =	swait.ge @!p1 [sflag:s1], $0x4000  }
0x20: {  	s21 =	smov.u32 s6;
	s22 =	smov.u32 s8;
	[sflag:s1] =	ssyncset.done @!p1 $0x0  }
0x21: {  	s24 =	sadd.s32 $0x1, s24;
	[sflag:s1] =	ssyncadd.s32 @!p1 $0xFFFFC000;
	s23 =	smov.u32 s9  }
.LBB1_1:
0x22: {  	p1 =	sge.u32 s24, s7  }
.Ltmp2:
0x23: {  	_ = 	snop;
	(pc) =	sbr.rel @p1 .LBB1_3-.Ltmp2, $1  }
0x24: {  	_ =	sdelay $0x3  }
0x25: {  	s0 =	smul.u32 $0x54000, s23  }
0x26: {  	s1 =	smul.u32 $0xA800, s22;
	_ =	sdelay $0x1  }
0x27: {  	s3 =	smul.u32 $0x600, s21;
	s9 =	rddreg [dreg:$0x3];
	s6 =	sadd.s32 s0, s1  }
0x28: {  	s8 =	smul.u32 $0xC0, s20;
	s6 =	sadd.s32 s9, s6  }
0x29: {  	s11 =	sxor.u32 $0xFFFFFFFF, s24;
	s6 =	sadd.s32 s3, s6  }
0x2a: {  	s10 =	sshll.u32 s19, $0x6;
	s9 =	sshll.u32 s11, $0xE;
	s6 =	sadd.s32 s8, s6  }
0x2b: {  	s18 =	rddreg [dreg:$0x4];
	s9 =	sand.u32 $0x4000, s9;
	s6 =	sadd.s32 s10, s6  }
0x2c: {  	[tilespmem:s9], [sflag:$0x1] =	stream.strided.gather [hbm4b:s6+s16], $0x800, s17, s16, $0x38;
	[tilespmem:$0x10000] =	vst v63  }
0x2d: {  	s6 =	sadd.s32 s0, s18  }
0x2e: {  	s6 =	sadd.s32 s1, s6  }
0x2f: {  	s6 =	sadd.s32 s3, s6  }
0x30: {  	s6 =	sadd.s32 s8, s6  }
0x31: {  	s31 =	rddreg [dreg:$0x5];
	s18 =	sor.u32 $0x800, s9;
	s6 =	sadd.s32 s10, s6  }
0x32: {  	[tilespmem:s18], [sflag:$0x1] =	stream.strided.gather [hbm4b:s6+s16], $0x800, s17, s16, $0x38;
	[tilespmem:$0x10000] =	vst v63  }
0x33: {  	s6 =	sadd.s32 s0, s31  }
0x34: {  	s6 =	sadd.s32 s1, s6  }
0x35: {  	s6 =	sadd.s32 s3, s6  }
0x36: {  	s6 =	sadd.s32 s8, s6  }
0x37: {  	s11 =	sor.u32 $0x1000, s9;
	s31 =	rddreg [dreg:$0x6];
	s6 =	sadd.s32 s10, s6  }
0x38: {  	[tilespmem:s11], [sflag:$0x1] =	stream.strided.gather [hbm4b:s6+s16], $0x800, s17, s16, $0x38;
	[tilespmem:$0x10000] =	vst v63  }
0x39: {  	s6 =	sadd.s32 s0, s31  }
0x3a: {  	s6 =	sadd.s32 s1, s6  }
0x3b: {  	s6 =	sadd.s32 s3, s6  }
0x3c: {  	s6 =	sadd.s32 s8, s6  }
0x3d: {  	s11 =	sor.u32 $0x1800, s9;
	s31 =	rddreg [dreg:$0x7];
	s6 =	sadd.s32 s10, s6  }
0x3e: {  	[tilespmem:s11], [sflag:$0x1] =	stream.strided.gather [hbm4b:s6+s16], $0x800, s17, s16, $0x38;
	[tilespmem:$0x10000] =	vst v63  }
0x3f: {  	s6 =	sadd.s32 s0, s31  }
0x40: {  	s6 =	sadd.s32 s1, s6  }
0x41: {  	s6 =	sadd.s32 s3, s6  }
0x42: {  	s6 =	sadd.s32 s8, s6  }
0x43: {  	s11 =	sor.u32 $0x2000, s9;
	s31 =	sadd.s32 s0, s12;
	s6 =	sadd.s32 s10, s6  }
0x44: {  	[tilespmem:s11], [sflag:$0x1] =	stream.strided.gather [hbm4b:s6+s16], $0x800, s17, s16, $0x38;
	[tilespmem:$0x10000] =	vst v63  }
0x45: {  	s6 =	sadd.s32 s1, s31  }
0x46: {  	s6 =	sadd.s32 s3, s6  }
0x47: {  	s6 =	sadd.s32 s8, s6  }
0x48: {  	s11 =	sor.u32 $0x2800, s9;
	s31 =	sadd.s32 s0, s13;
	s6 =	sadd.s32 s10, s6  }
0x49: {  	[tilespmem:s11], [sflag:$0x1] =	stream.strided.gather [hbm4b:s6+s16], $0x800, s17, s16, $0x38;
	[tilespmem:$0x10000] =	vst v63  }
0x4a: {  	s0 =	sadd.s32 s0, s14;
	s6 =	sadd.s32 s1, s31  }
0x4b: {  	s0 =	sadd.s32 s1, s0;
	s6 =	sadd.s32 s3, s6  }
0x4c: {  	s0 =	sadd.s32 s3, s0;
	s6 =	sadd.s32 s8, s6  }
0x4d: {  	s0 =	sadd.s32 s8, s0;
	s11 =	sor.u32 $0x3000, s9;
	s6 =	sadd.s32 s10, s6  }
0x4e: {  	[tilespmem:s11], [sflag:$0x1] =	stream.strided.gather [hbm4b:s6+s16], $0x800, s17, s16, $0x38;
	[tilespmem:$0x10000] =	vst v63  }
0x4f: {  	s0 =	sadd.s32 s10, s0;
	s31 =	sor.u32 $0x3800, s9  }
0x50: {  	[tilespmem:s31], [sflag:$0x1] =	stream.strided.gather [hbm4b:s0+s16], $0x800, s17, s16, $0x38;
	[tilespmem:$0x10000] =	vst v63  }
.LBB1_3:
0x51: {  	s0 =	sadd.s32 $0xFFFFFFFF, s24  }
0x52: {  	p1 =	sge.u32 s0, s7  }
.Ltmp3:
0x53: {  	_ = 	snop;
	(pc) =	sbr.rel @p1 .LBB1_11-.Ltmp3, $1  }
0x54: {  	_ =	sdelay $0x3  }
0x55: {  	s0 =	simm.s32 $0x1;
	_ =	swait.ge [sflag:s5], $0x4000;
	s1 =	sshll.u32 s24, $0xE  }
0x56: {  	s0 =	simm.s32 @!p0 $0x0;
	[sflag:s5] =	ssyncset.done $0x0;
	s18 =	sand.u32 $0x4000, s1  }
0x57: {  	s0 =	sshll.u32 s0, $0xE;
	[sflag:s5] =	ssyncadd.s32 $0xFFFFC000;
	s31 =	sor.u32 $0x8000, s18  }
0x58: {  	s18 =	simm.s32 $0x0;
	s6 =	sor.u32 $0x30, s0;
	s3 =	sor.u32 $0x8000, s0  }
.LBB1_5:
0x59: {  	s0 =	smov.u32 s3;
	s1 =	smov.u32 s6;
	s8 =	simm.s32 $0x0  }
.LBB1_6:
0x5a: {  	v1 =	vmov s1;
	_ =	sdelay $0x3  }
0x5b: {  	s9 =	simm.s32 $0x0  }
0x5c: {  	v3 =	vld.idx.msk [tilespmem:v1+s9+$0x0 ss:$0x1], $0xffff  }
0x5d: {  	v0 =	vmov s0;
	v4 =	vld.idx.msk [tilespmem:v1+s9+$0xFFFFFFD0 ss:$0x1], $0xffff  }
0x5e: {  	v2 =	vld.idx.msk [tilespmem:v1+s9+$0xFFFFFFE0 ss:$0x1], $0xffff  }
0x5f: {  	s10 =	simm.s32 $0x100;
	v5 =	vld.idx.msk [tilespmem:v1+s9+$0xFFFFFFF0 ss:$0x1], $0xffff  }
.LBB1_7:
0x60: {  	p1 =	sne.s32 s10, $0x700  }
.Ltmp4:
0x61: {  	s11 =	sshra.s32 s10, $0x2;
	s10 =	sadd.s32 $0x100, s10;
	(pc) =	sbr.rel @p1 .LBB1_7-.Ltmp4, $4  }
0x62: {  	[tilespmem:v0+s9+$0x30 ss:$0x1] =	vst.idx.msk $0xffff, v3;
	v3 =	vld.idx.msk [tilespmem:v1+s11+$0x0 ss:$0x1], $0xffff  }
0x63: {  	[tilespmem:v0+s9+$0x0 ss:$0x1] =	vst.idx.msk $0xffff, v4;
	v4 =	vld.idx.msk [tilespmem:v1+s11+$0xFFFFFFD0 ss:$0x1], $0xffff  }
0x64: {  	[tilespmem:v0+s9+$0x10 ss:$0x1] =	vst.idx.msk $0xffff, v2;
	v2 =	vld.idx.msk [tilespmem:v1+s11+$0xFFFFFFE0 ss:$0x1], $0xffff  }
0x65: {  	[tilespmem:v0+s9+$0x20 ss:$0x1] =	vst.idx.msk $0xffff, v5;
	v5 =	vld.idx.msk [tilespmem:v1+s11+$0xFFFFFFF0 ss:$0x1], $0xffff;
	s9 =	smov.u32 s11  }
0x66: {  	_ = 	snop  }
0x67: {  	s8 =	sadd.s32 $0x1, s8  }
0x68: {  	p1 =	sne.s32 s8, $0x4  }
.Ltmp5:
0x69: {  	_ = 	snop;
	(pc) =	sbr.rel @p1 .LBB1_6-.Ltmp5, $4  }
0x6a: {  	[tilespmem:v0+s9+$0x30 ss:$0x1] =	vst.idx.msk $0xffff, v3  }
0x6b: {  	[tilespmem:v0+s9+$0x0 ss:$0x1] =	vst.idx.msk $0xffff, v4  }
0x6c: {  	[tilespmem:v0+s9+$0x10 ss:$0x1] =	vst.idx.msk $0xffff, v2  }
0x6d: {  	s1 =	sadd.s32 $0x200, s1;
	s0 =	sadd.s32 $0x1000, s0;
	[tilespmem:v0+s9+$0x20 ss:$0x1] =	vst.idx.msk $0xffff, v5  }
0x6e: {  	s18 =	sadd.s32 $0x1, s18  }
0x6f: {  	p1 =	sne.s32 s18, $0x8  }
.Ltmp6:
0x70: {  	_ = 	snop;
	(pc) =	sbr.rel @p1 .LBB1_5-.Ltmp6, $2  }
0x71: {  	_ =	sdelay $0x2  }
0x72: {  	s6 =	sadd.s32 $0x800, s6;
	s3 =	sadd.s32 $0x200, s3  }
0x73: {  	s0 =	smul.u32 $0x7000, s30  }
0x74: {  	s3 =	rddreg [dreg:$0x2]  }
0x75: {  	s1 =	sshll.u32 s29, $0x7;
	s0 =	sadd.s32 s3, s0  }
0x76: {  	s27 =	smul.u32 $0x310000, s27;
	s6 =	sshll.u32 s28, $0xA;
	s0 =	sadd.s32 s1, s0  }
.Ltmp7:
0x77: {  	s28 =	sshll.u32 s26, $0x4;
	s0 =	sadd.s32 s6, s0;
	(pc) =	sbr.rel .LBB1_11-.Ltmp7, $4  }
0x78: {  	s29 =	smul.u32 $0xC4000, s25;
	s1 =	sand.u32 $0x70, s28;
	s0 =	sadd.s32 s27, s0  }
0x79: {  	s0 =	sadd.s32 s1, s0  }
0x7a: {  	s30 =	simm.s32 $0x80;
	s0 =	sadd.s32 s29, s0  }
0x7b: {  	[hbm4b:s0+s16] =	stream.strided.scatter [tilespmem:s31], [sflag:$0x2], $0x4000, s30, s16, $0x38;
	[tilespmem:$0x10000] =	vst v63  }
.LBB1_12:
0x7c: {  	_ =	sfence.sel $0x180000  }
0x7d: {  	s0 =	simm.s32 $0x1;
	[bflag:$0x0] =	sbarrier.arrive $0xFFFF  }
0x7e: {  	s30 =	simm.s32 $0x2;
	[sflag:s0] =	ssyncpa.u1 $0x1  }
0x7f: {  	[sflag:s30] =	ssyncpa.u1 $0x1  }
0x80: {  	_ =	strace $0x90000047  }
0x81: {  	s31 =	stileid.u32;
	[bflag:$0x2] =	sbarrier.arrive $0xFFFF  }
0x82: {  	p0 =	sne.s32 s31, $0x0;
	s0 =	rddreg [dreg:$0x1]  }
0x83: {  	s0 =	sadd.s32 @!p0 $0x100000, s0  }
0x84: {  	[sflag:s0] =	ssyncadd.tile.s32 @!p0 $0x1;
	_ =	shalt  }
.Lfunc_end1:
_tile_overlayer_lowered:
.L_overlay_start_2:
0x85: {  	(tag) =	ssettag $0x2  }
0x86: {  	s0 =	rddreg [dreg:$0x0];
	s2 =	stileid.u32  }
0x87: {  	s1 =	rddreg [dreg:$0x1];
	p0 =	sne.s32 s2, $0x0  }
0x88: {  	s3 =	rddreg [dreg:$0x2];
	[bflag:$0x3] =	sbarrier.arrive $0xFFFF;
	s2 =	simm.s32 @!p0 $0x1C01  }
0x89: {  	[timem:s3], [sflag:s2] =	dma.local @!p0 [hbm:s0], s1  }
0x8a: {  	s0 =	simm.s32 @!p0 $0x1  }
0x8b: {  	_ =	swait.ge @!p0 [sflag:s0], s1  }
0x8c: {  	s1 =	ssub.s32 @!p0 $0x0, s1;
	[sflag:s0] =	ssyncset.done @!p0 $0x0  }
0x8d: {  	[sflag:s0] =	ssyncadd.s32 @!p0 s1  }
0x8e: {  	[bflag:$0x3] =	sbarrier.arrive $0xFFFF  }
0x8f: {  	_ =	shalt  }

// kernel: sparse-core-data-format-call.cloned.1.call-start
scs
called_computation_lowered:
.L_overlay_start_0:
0x0: {  	s2 =	sld [smem:$0x3FD9]  }
0x1: {  	s3 =	sld [smem:$0x3FFE];
	_ =	sdelay $0x1  }
0x2: {  	s1 =	srdreg.scid  }
0x3: {  	s0 =	sand.u32 $0x1, s1  }
0x4: {  	s18 =	sshll.u32 s0, $0xA;
	s2 =	sadd.s32 s3, s2  }
0x5: {  	s2 =	sadd.s32 s2, s18  }
0x6: {  	[smem:$0x3FBF] =	sst s2  }
0x7: {  	_ = 	snop  }
0x8: {  	s2 =	sld [smem:$0x3FD0];
	(tm) =	ssettm $0x1  }
0x9: {  	s19 =	sld [smem:$0x3FFB];
	_ =	sdelay $0x3  }
0xa: {  	_ =	strace s19  }
0xb: {  	s3 =	sld [smem:$0x3FFC];
	_ =	sdelay $0x3  }
0xc: {  	_ =	strace s3  }
0xd: {  	s3 =	sld [smem:$0x3FFD];
	_ =	sdelay $0x3  }
0xe: {  	_ =	strace s3  }
0xf: {  	_ =	strace $0x8FFFFFFF  }
0x10: {  	s20 =	sld [smem:$0x3FDB];
	_ =	sdelay $0x1  }
0x11: {  	s4 =	simm.s32 $_scs_section_size  }
0x12: {  	s5 =	simm.s32 $_size__tile_overlayer_lowered;
	s6 =	simm.s32 $_tile_overlayer_lowered  }
0x13: {  	s23 =	simm.s32 $0x1BFF;
	s22 =	sshll.u32 s6, $0x1;
	s3 =	sadd.s32 s4, s20  }
0x14: {  	s7 =	simm.s32 $0x0;
	s21 =	sshll.u32 s5, $0x1;
	s5 =	sadd.s32 s22, s3  }
0x15: {  	[timem:s7], [sflag:s23] =	dma.local [hbm:s5], s21  }
0x16: {  	_ =	swait.ge [sflag:s23], s21  }
0x17: {  	s4 =	ssub.s32 $0x0, s21;
	[sflag:s23] =	ssyncset.done $0x0  }
0x18: {  	[sflag:s23] =	ssyncadd.s32 s4;
	_ =	sdelay $0x1  }
0x19: {  	s24 =	simm.s32 $0x1B8B  }
0x1a: {  	_ =	swait.ge [sflag:s24], $0x1  }
0x1b: {  	[sflag:s24] =	ssyncset.done $0x0  }
0x1c: {  	s26 =	simm.s32 $0x1B8E;
	s25 =	sld [smem:$0x3FFE];
	[sflag:s24] =	ssyncadd.s32 $0xFFFFFFFF  }
0x1d: {  	s27 =	simm.s32 $execute0_lowered;
	[smem:$0x3FD2] =	sst s26  }
0x1e: {  	s5 =	sshll.u32 s27, $0x1;
	_ =	strace $0x80000049;
	[dreg:$0x1] =	wrdreg $0xFFFFFFFF  }
0x1f: {  	s28 =	simm.s32 $_size_execute0_lowered;
	s3 =	sadd.s32 s3, s5;
	[dreg:$0x0] =	wrdreg $0x0  }
0x20: {  	s5 =	sshll.u32 s28, $0x1;
	[dreg:$0x2] =	wrdreg s3  }
0x21: {  	[dreg:$0x3] =	wrdreg s5  }
0x22: {  	[dreg:$0x4] =	wrdreg $0xC0  }
0x23: {  	_ =	task [dreg:s7], $0x5FFFF  }
0x24: {  	[dreg:$0x1] =	wrdreg $0xFFFFFFFF  }
0x25: {  	[dreg:$0x0] =	wrdreg $0x60  }
0x26: {  	[dreg:$0x2] =	wrdreg s25  }
0x27: {  	[dreg:$0x3] =	wrdreg s2  }
0x28: {  	[dreg:$0x4] =	wrdreg $0x9  }
0x29: {  	_ =	task.clear_ibuf [dreg:s7], $0x5FFFF;
	_ =	strace $0x90000049  }
0x2a: {  	s29 =	simm.s32 $0x9;
	_ =	strace $0x8000004B  }
0x2b: {  	_ =	swait.ge [sflag:s29], $0x1  }
0x2c: {  	[sflag:s29] =	ssyncadd.s32 $0xFFFFFFFF  }
0x2d: {  	_ =	strace $0x9000004B  }
0x2e: {  	_ =	sfence  }
0x2f: {  	s30 =	sld [smem:$0x0];
	_ =	sdelay $0x2  }
0x30: {  	s31 =	sshll.u32 s1, $0xD;
	s1 =	sshrl.u32 s1, $0x2  }
0x31: {  	s3 =	sand.u32 $0x4000, s31;
	s1 =	sadd.s32 s1, s30  }
0x32: {  	s0 =	sor.u32 s3, s0;
	s1 =	sshll.u32 s1, $0x11  }
0x33: {  	s0 =	sor.u32 s1, s0  }
0x34: {  	s0 =	sadd.s32 $0x8F2B, s0  }
0x35: {  	[sflag:s0] =	ssyncadd.remote.s32 $0x1  }
0x36: {  	_ =	sfence.sel $0xFFFF  }
0x37: {  	[dreg:$0x0] =	wrdreg $0xFFFFFFFF;
	(pc) =	sbr.abs _section_cstart, $3  }
0x38: {  	[dreg:$0x1] =	wrdreg $0xFFFFFFFF  }
0x39: {  	_ =	task.clear_ibuf [dreg:s7], $0x2FFFF;
	_ =	strace $0x9FFFFFFF  }
0x3a: {  	(tm) =	ssettm $0x7FFFFFFF  }
0x3b: {  	_ =	shalt  }
tec
execute0_lowered:
.L_overlay_start_1:
0x0: {  	(tag) =	ssettag $0x1  }
0x1: {  	s0 =	rddreg [dreg:$0x0]  }
0x2: {  	s1 =	srdreg.scid;
	_ =	strace $0x8000004A;
	s2 =	stileid.u32  }
0x3: {  	s30 =	simm.s32 $0x1;
	s31 =	simm.s32 $0x2;
	s15 =	simm.s32 $0x0  }
0x4: {  	s16 =	simm.s32 $0x0;
	s17 =	simm.s32 $0x0;
	s8 =	simm.s32 $0x0  }
0x5: {  	s10 =	simm.s32 $0x0;
	s12 =	simm.s32 $0x0;
	s11 =	simm.s32 $0x0  }
.Ltmp0:
0x6: {  	s9 =	simm.s32 $0x0;
	s29 =	sshll.u32 s1, $0x4;
	(pc) =	sbr.rel .LBB1_1-.Ltmp0, $4  }
0x7: {  	s6 =	sadd.s32 $0x3E00, s0;
	[sflag:s30] =	ssyncpa.u1 $0x0;
	s0 =	sand.u32 $0x10, s29  }
0x8: {  	s7 =	sand.u32 $0x3, s2;
	[dreg:$0x3] =	wrdreg s6;
	s0 =	sor.u32 s2, s0  }
0x9: {  	[sflag:s31] =	ssyncpa.u1 $0x0;
	[dreg:$0x4] =	wrdreg s7;
	s18 =	sshrl.u32 s0, $0x2  }
0xa: {  	s14 =	smov.u32 s7;
	s13 =	smov.u32 s18;
	[dreg:$0x5] =	wrdreg s18  }
.LBB1_13:
0xb: {  	s0 =	sshll.u32 s10, $0x8  }
0xc: {  	s1 =	sshll.u32 s8, $0x3;
	p0 =	sgt.s32 s8, $0x80;
	s2 =	smov.u32 s8  }
0xd: {  	s3 =	sshll.u32 s10, $0x7;
	s4 =	rddreg [dreg:$0x6];
	s24 =	sand.u32 $0x78, s8  }
0xe: {  	s5 =	smul.u32 $0x54000, s12;
	s26 =	rddreg [dreg:$0x1];
	s27 =	sand.u32 $0x7, s8  }
0xf: {  	s0 =	sand.u32 $0xFFFFF800, s0;
	s1 =	sand.u32 $0xFFFFFC00, s1;
	s2 =	simm.s32 @!p0 $0x80  }
0x10: {  	s21 =	sand.u32 $0x300, s3;
	s0 =	sadd.s32 s0, s1;
	s2 =	sadd.s32 s19, s2  }
0x11: {  	s29 =	rddreg [dreg:$0x7];
	s0 =	sor.u32 s21, s0;
	s22 =	sadd.s32 $0xFFFFFF80, s2  }
0x12: {  	s1 =	ssub.s32 $0x100, s2;
	s0 =	sshrl.u32 s0, $0x8;
	p0 =	sgt.s32 s22, $0x7F  }
0x13: {  	s31 =	simm.s32 $0xE000;
	s23 =	smulhi.u32 $0x124924A, s0;
	s1 =	simm.s32 @p0 $0x0  }
0x14: {  	s6 =	rddreg [dreg:$0x3];
	s3 =	sand.u32 $0x80, s3;
	s1 =	smul.u32 s1, s4  }
0x15: {  	s7 =	rddreg [dreg:$0x4];
	s3 =	sor.u32 s24, s3;
	s2 =	smul.u32 $0xE0, s23  }
0x16: {  	s18 =	rddreg [dreg:$0x5];
	s28 =	sshll.u32 s27, $0x12;
	s25 =	sshrl.u32 s3, $0x3  }
0x17: {  	s3 =	sadd.s32 s26, s5;
	s1 =	smul.u32 $0x30, s1;
	s0 =	ssub.s32 s0, s2  }
0x18: {  	s30 =	sor.u32 $0x80, s28;
	s2 =	sadd.s32 s25, s3;
	s0 =	sshll.u32 s0, $0x5  }
0x19: {  	s4 =	sor.u32 $0x4000, s29;
	s1 =	sand.u32 $0x3FFFFFF0, s1;
	s0 =	sadd.s32 s0, s2  }
0x1a: {  	[hbm4b:s0+s30] =	stream.strided.scatter [tilespmem:s4], [sflag:$0x2], s1, s31, s30, $0x20;
	[tilespmem:$0x8080] =	vst v63  }
.LBB1_14:
0x1b: {  	p0 =	slt.u32 s9, $0x2  }
0x1c: {  	s0 =	smov.u32 s17;
	p1 =	sgt.s32 @!p0 s17, $0x3;
	s1 =	sshra.s32 @!p0 s17, $0x1F  }
0x1d: {  	s2 =	sshra.s32 @!p0 s16, $0x1F;
	p2 =	sgt.s32 @!p0 s15, $0x80;
	p1 =	por !p1, p0  }
0x1e: {  	s1 =	sand.u32 @!p0 s1, s17;
	s0 =	simm.s32 @p1 $0x3;
	p1 =	sgt.s32 @!p0 s16, $0xDF  }
0x1f: {  	s0 =	ssub.s32 @!p0 s0, s1;
	p1 =	por !p1, p0;
	s1 =	smov.u32 s16  }
0x20: {  	s2 =	sand.u32 @!p0 s2, s16;
	p2 =	por !p2, p0;
	s1 =	simm.s32 @p1 $0xDF  }
0x21: {  	s3 =	sadd.s32 @!p0 $0xFFFFFFFD, s0;
	s0 =	ssub.s32 @!p0 $0x4, s0;
	s1 =	ssub.s32 @!p0 s1, s2  }
0x22: {  	p1 =	sgt.s32 @!p0 s3, $0x0;
	s3 =	smov.u32 s15;
	s2 =	sadd.s32 @!p0 $0xFFFFFF21, s1  }
0x23: {  	s3 =	simm.s32 @p2 $0x80;
	p2 =	sgt.s32 @!p0 s2, $0x0;
	s2 =	sshra.s32 @!p0 s15, $0x1F  }
0x24: {  	s0 =	smul.u32 @!p0 $0x30, s0;
	p1 =	por !p1, p0;
	s2 =	sand.u32 @!p0 s2, s15  }
0x25: {  	s1 =	ssub.s32 @!p0 $0xE0, s1;
	p2 =	por !p2, p0;
	s2 =	ssub.s32 @!p0 s3, s2  }
0x26: {  	s0 =	simm.s32 @!p1 $0x0;
	s1 =	simm.s32 @!p2 $0x0;
	s3 =	sadd.s32 @!p0 $0xFFFFFF80, s2  }
0x27: {  	s4 =	smov.u32 s13;
	s0 =	smul.u32 @!p0 s1, s0;
	p1 =	sgt.s32 @!p0 s3, $0x7F  }
0x28: {  	s1 =	ssub.s32 @!p0 $0x100, s2;
	s2 =	sadd.s32 $0x80, s11;
	p1 =	por !p1, p0  }
0x29: {  	s3 =	sadd.s32 $0x8, s13;
	s1 =	simm.s32 @!p1 $0x0;
	p1 =	sgt.s32 s2, $0xDF  }
0x2a: {  	s0 =	smul.u32 @!p0 s1, s0;
	s4 =	smov.u32 @p1 s3  }
0x2b: {  	s1 =	sadd.s32 $0x4, s14;
	s3 =	smov.u32 s14;
	p2 =	sgt.s32 s4, $0xDF  }
0x2c: {  	s9 =	sadd.s32 $0x1, s9;
	s3 =	smov.u32 @p2 s1  }
0x2d: {  	s17 =	smov.u32 s12;
	s2 =	simm.s32 @p1 $0x0;
	p1 =	sgt.s32 s3, $0x3  }
0x2e: {  	s12 =	smov.u32 s14;
	s3 =	smov.u32 @p1 s7;
	p1 =	sne.s32 s9, $0x3A  }
.Ltmp1:
0x2f: {  	s16 =	smov.u32 s10;
	s10 =	smov.u32 s13;
	(pc) =	sbr.rel @!p1 .LBB1_15-.Ltmp1, $4  }
0x30: {  	s15 =	smov.u32 s8;
	s0 =	sand.u32 @!p0 $0x3FFFFFF0, s0;
	s1 =	simm.s32 @!p0 $0x2  }
0x31: {  	s8 =	smov.u32 s11;
	s11 =	smov.u32 s2;
	_ =	swait.ge @!p0 [sflag:s1], s0  }
0x32: {  	s4 =	smov.u32 @p2 s18;
	s0 =	ssub.s32 @!p0 $0x0, s0;
	[sflag:s1] =	ssyncset.done @!p0 $0x0  }
0x33: {  	s13 =	smov.u32 s4;
	[sflag:s1] =	ssyncadd.s32 @!p0 s0;
	s14 =	smov.u32 s3  }
.LBB1_1:
0x34: {  	p0 =	sgt.u32 s9, $0x37;
	s2 =	smov.u32 s14  }
0x35: {  	s4 =	smov.u32 s13;
	s0 =	sand.u32 @!p0 $0x1FFFFFF, s11;
	p1 =	sgt.s32 @!p0 s14, $0x3  }
0x36: {  	s3 =	sshra.s32 @!p0 s14, $0x1F;
	s5 =	sshra.s32 @!p0 s13, $0x1F;
	p1 =	por !p1, p0  }
0x37: {  	s1 =	smulhi.u32 @!p0 $0x2492493, s0;
	s2 =	simm.s32 @p1 $0x3;
	p1 =	sgt.s32 @!p0 s13, $0xDF  }
0x38: {  	s3 =	sand.u32 @!p0 s3, s14;
	s5 =	sand.u32 @!p0 s5, s13;
	p1 =	por !p1, p0  }
0x39: {  	s1 =	sshrl.u32 @!p0 s1, $0x1;
	s2 =	ssub.s32 @!p0 s2, s3;
	s4 =	simm.s32 @p1 $0xDF  }
0x3a: {  	p1 =	sgt.s32 @!p0 s11, $0x60;
	s2 =	sadd.s32 @!p0 $0xFFFFFFFD, s2;
	s3 =	ssub.s32 @!p0 s4, s5  }
0x3b: {  	p1 =	por !p1, p0;
	s5 =	smov.u32 s11;
	s4 =	sadd.s32 @!p0 $0xFFFFFF21, s3  }
0x3c: {  	s5 =	simm.s32 @p1 $0x60;
	p2 =	sgt.s32 @!p0 s4, $0x0;
	s4 =	sshra.s32 @!p0 s11, $0x1F  }
0x3d: {  	p1 =	sgt.s32 @!p0 s2, $0x0;
	s2 =	sshll.u32 @!p0 s2, $0x6;
	s4 =	sand.u32 @!p0 s4, s11  }
0x3e: {  	s3 =	ssub.s32 @!p0 $0xE0, s3;
	s2 =	ssub.s32 @!p0 $0x40, s2;
	s4 =	ssub.s32 @!p0 s5, s4  }
0x3f: {  	p1 =	por !p1, p0;
	p2 =	por !p2, p0;
	s5 =	sadd.s32 @!p0 $0xFFFFFFA0, s4  }
0x40: {  	s2 =	simm.s32 @!p1 $0x0;
	s3 =	simm.s32 @!p2 $0x0;
	p2 =	sgt.s32 @!p0 s5, $0x7F  }
0x41: {  	s4 =	ssub.s32 @!p0 $0xE0, s4;
	s2 =	smul.u32 @!p0 s3, s2;
	p1 =	por !p2, p0  }
0x42: {  	s1 =	smul.u32 @!p0 $0xE0, s1;
	s4 =	simm.s32 @!p1 $0x0  }
0x43: {  	s2 =	smul.u32 @!p0 s4, s2  }
0x44: {  	s4 =	smul.u32 @!p0 $0xC4000, s14  }
0x45: {  	s0 =	ssub.s32 @!p0 s0, s1;
	s3 =	sxor.u32 @!p0 $0xFFFFFFFF, s9;
	s5 =	smul.u32 @!p0 $0xE00, s13  }
0x46: {  	s0 =	sshll.u32 @!p0 s0, $0x4;
	s3 =	sshll.u32 @!p0 s3, $0xD;
	s1 =	sadd.s32 @!p0 s6, s4  }
0x47: {  	s3 =	sand.u32 @!p0 $0x2000, s3;
	s2 =	sand.u32 @!p0 $0x3FFFFFC0, s2;
	s1 =	sadd.s32 @!p0 s5, s1  }
0x48: {  	s4 =	simm.s32 @!p0 $0x80;
	s0 =	sadd.s32 @!p0 s0, s1;
	s1 =	simm.s32 @!p0 $0x40  }
0x49: {  	[tilespmem:s3], [sflag:$0x1] =	stream.strided.gather @!p0 [hbm4b:s0+s1], s2, s4, s1, $0x38;
	[tilespmem:$0x8080] =	vst v63  }
0x4a: {  	p0 =	seq.s32 s9, $0x0  }
0x4b: {  	p1 =	seq.s32 @!p0 s9, $0x39  }
0x4c: {  	p0 =	por p0, p1  }
.Ltmp2:
0x4d: {  	_ = 	snop;
	(pc) =	sbr.rel @p0 .LBB1_14-.Ltmp2, $1  }
0x4e: {  	_ =	sdelay $0x3  }
0x4f: {  	p0 =	sgt.s32 s12, $0x3;
	s0 =	smov.u32 s12  }
0x50: {  	s1 =	sshra.s32 s12, $0x1F;
	s2 =	smov.u32 s10;
	s3 =	sshra.s32 s10, $0x1F  }
0x51: {  	s24 =	ssub.s32 $0x0, s8;
	s25 =	sshra.s32 s8, $0x1F;
	p2 =	sgt.s32 s8, $0x60  }
0x52: {  	s4 =	smov.u32 s8;
	s0 =	simm.s32 @!p0 $0x3;
	p0 =	sgt.s32 s10, $0xDF  }
0x53: {  	s1 =	sand.u32 s1, s12;
	s3 =	sand.u32 s3, s10;
	s19 =	sand.u32 s24, s25  }
0x54: {  	s4 =	simm.s32 @!p2 $0x60;
	s2 =	simm.s32 @!p0 $0xDF;
	s0 =	ssub.s32 s0, s1  }
0x55: {  	s22 =	ssub.s32 s2, s3;
	s23 =	sadd.s32 $0xFFFFFFFD, s0;
	s0 =	ssub.s32 $0x4, s0  }
0x56: {  	s2 =	sadd.s32 s19, s4;
	s3 =	sadd.s32 $0xFFFFFF21, s22;
	p0 =	sgt.s32 s23, $0x0  }
0x57: {  	s1 =	ssub.s32 $0xE0, s22;
	s27 =	sadd.s32 $0xFFFFFFA0, s2;
	p1 =	sgt.s32 s3, $0x0  }
0x58: {  	s0 =	simm.s32 @p0 $0x0;
	p0 =	sgt.s32 s27, $0x7F;
	s1 =	simm.s32 @p1 $0x0  }
0x59: {  	s26 =	smul.u32 s0, s1;
	s0 =	ssub.s32 $0xE0, s2;
	s1 =	sadd.s32 $0x1, s12  }
0x5a: {  	s2 =	sadd.s32 $0x1, s10;
	s0 =	simm.s32 @p0 $0x0;
	p0 =	slt.s32 s1, $0x4  }
0x5b: {  	s1 =	simm.s32 @!p0 $0x4;
	p0 =	slt.s32 s2, $0xE0  }
0x5c: {  	s21 =	ssub.s32 s1, s12;
	s2 =	simm.s32 @!p0 $0xE0;
	s1 =	sadd.s32 $0x80, s8  }
0x5d: {  	s22 =	ssub.s32 s2, s10;
	p1 =	slt.s32 s1, $0xE0;
	p0 =	slt.s32 s21, $0x1  }
0x5e: {  	s1 =	simm.s32 @!p1 $0xE0;
	p1 =	slt.s32 @!p0 s22, $0x1  }
0x5f: {  	s23 =	ssub.s32 s1, s8;
	p1 =	por p0, p1  }
0x60: {  	s0 =	smul.u32 s0, s26;
	p2 =	slt.s32 @!p1 s23, $0x1  }
0x61: {  	p1 =	por p1, p2  }
.Ltmp3:
0x62: {  	s29 =	simm.s32 $0x1;
	s0 =	sshll.u32 s0, $0x6;
	(pc) =	sbr.rel @p1 .LBB1_13-.Ltmp3, $4  }
0x63: {  	[dreg:$0x6] =	wrdreg s26;
	s28 =	sand.u32 $0x3FFFFFC0, s0;
	s0 =	sand.u32 $0x1, s9  }
0x64: {  	_ =	swait.ge [sflag:s29], s28;
	s31 =	smul.u32 $0x2040, s0  }
0x65: {  	s30 =	ssub.s32 $0x0, s28;
	[sflag:s29] =	ssyncset.done $0x0  }
0x66: {  	[sflag:s29] =	ssyncadd.s32 s30;
	[dreg:$0x7] =	wrdreg s31  }
.Ltmp4:
0x67: {  	(pc) =	sbr.rel .LBB1_4-.Ltmp4, $3  }
0x68: {  	_ =	sdelay $0x1  }
0x69: {  	s24 =	sshll.u32 @!p0 s0, $0xD;
	s0 =	rddreg [dreg:$0x7]  }
0x6a: {  	s26 =	simm.s32 $0x0;
	s25 =	sor.u32 @!p0 $0x4000, s0  }
.LBB1_12:
0x6b: {  	s26 =	sadd.s32 $0x1, s26  }
0x6c: {  	p0 =	sne.s32 s26, s21  }
.Ltmp5:
0x6d: {  	_ = 	snop;
	(pc) =	sbr.rel @!p0 .LBB1_13-.Ltmp5, $1  }
0x6e: {  	_ =	sdelay $0x3  }
.LBB1_4:
0x6f: {  	s0 =	smul.u32 $0x8100, s26;
	_ =	sdelay $0x1  }
0x70: {  	s0 =	sshra.s32 s0, $0x2  }
0x71: {  	s27 =	sadd.s32 s0, s25  }
0x72: {  	s30 =	simm.s32 $0x0;
	s28 =	sadd.s32 $0x810, s27;
	s29 =	sadd.s32 $0x1020, s27  }
.LBB1_5:
0x73: {  	s0 =	sadd.s32 s26, s30  }
0x74: {  	s0 =	sshll.u32 s0, $0xF  }
0x75: {  	p1 =	sne.s32 s23, $0x1;
	s0 =	sshra.s32 s0, $0x2  }
.Ltmp6:
0x76: {  	s1 =	sand.u32 $0x7, s30;
	s2 =	sadd.s32 s0, s24;
	(pc) =	sbr.rel @!p1 .LBB1_6-.Ltmp6, $4  }
0x77: {  	s1 =	smul.u32 $0x81, s1;
	v0 =	vmov s2  }
0x78: {  	s6 =	simm.s32 $0x0  }
0x79: {  	s7 =	simm.s32 $0x1;
	p0 =	por $0x0, $0x0;
	s0 =	sadd.s32 s1, s27  }
0x7a: {  	s31 =	sadd.s32 s1, s28;
	s1 =	sadd.s32 s1, s29;
	s2 =	sand.u32 $0x1FC0, s6  }
0x7b: {  	_ =	sdelay $0x1  }
0x7c: {  	p1 =	sne.s32 s23, $0x2  }
.Ltmp7:
0x7d: {  	_ = 	snop;
	(pc) =	sbr.rel @!p1 .LBB1_8-.Ltmp7, $4  }
0x7e: {  	v1 =	vld.idx.msk [tilespmem:v0+s2+$0x20 ss:$0x1], $0xffff  }
0x7f: {  	v2 =	vld.idx.msk [tilespmem:v0+s2+$0x0 ss:$0x1], $0xffff;
	s4 =	simm.s32 $0x2  }
0x80: {  	v3 =	vld.idx.msk [tilespmem:v0+s2+$0x10 ss:$0x1], $0xffff;
	s5 =	simm.s32 $0x40;
	s3 =	sand.u32 $0x7F, s6;
	p0 =	por $0x1, $0x1  }
0x81: {  	s2 =	sand.u32 $0x1FC0, s5;
	s20 =	sadd.s32 s3, s0;
	s18 =	sadd.s32 s3, s1  }
.LBB1_9:
0x82: {  	s6 =	smov.u32 s4;
	s4 =	sadd.s32 $0x1, s4  }
0x83: {  	s3 =	sadd.s32 s3, s31;
	[tilespmem:s18+$0x0 ss:$0x81] =	vst.msk $0xffff, v1;
	v1 =	vld.idx.msk [tilespmem:v0+s2+$0x20 ss:$0x1], $0xffff;
	p1 =	sne.s32 s23, s4  }
.Ltmp8:
0x84: {  	[tilespmem:s20+$0x0 ss:$0x81] =	vst.msk $0xffff, v2;
	v2 =	vld.idx.msk [tilespmem:v0+s2+$0x0 ss:$0x1], $0xffff;
	(pc) =	sbr.rel @p1 .LBB1_9-.Ltmp8, $3  }
0x85: {  	[tilespmem:s3+$0x0 ss:$0x81] =	vst.msk $0xffff, v3;
	v3 =	vld.idx.msk [tilespmem:v0+s2+$0x10 ss:$0x1], $0xffff;
	_ =	sdelay $0x1  }
0x86: {  	s5 =	sadd.s32 $0x40, s5;
	s3 =	sand.u32 $0x7F, s7;
	s7 =	smov.u32 s6  }
0x87: {  	s2 =	sand.u32 $0x1FC0, s5;
	s20 =	sadd.s32 s3, s0;
	s18 =	sadd.s32 s3, s1  }
0x88: {  	s6 =	smov.u32 s7  }
.LBB1_11:
0x89: {  	_ =	sdelay $0x3  }
0x8a: {  	v4 =	vld.idx.msk [tilespmem:v0+s2+$0x20 ss:$0x1], $0xffff  }
0x8b: {  	v5 =	vld.idx.msk [tilespmem:v0+s2+$0x0 ss:$0x1], $0xffff;
	[tilespmem:s18+$0x0 ss:$0x81] =	vst.msk @p0 $0xffff, v1  }
0x8c: {  	v63 =	vld.idx.msk [tilespmem:v0+s2+$0x10 ss:$0x1], $0xffff;
	s2 =	sadd.s32 @p0 s3, s31;
	[tilespmem:s20+$0x0 ss:$0x81] =	vst.msk @p0 $0xffff, v2;
	s30 =	sadd.s32 $0x1, s30  }
0x8d: {  	[tilespmem:s2+$0x0 ss:$0x81] =	vst.msk @p0 $0xffff, v3;
	p0 =	sne.s32 s30, s22  }
.Ltmp9:
0x8e: {  	s20 =	sand.u32 $0x7F, s6;
	(pc) =	sbr.rel @p0 .LBB1_5-.Ltmp9, $4  }
.Ltmp10:
0x8f: {  	s1 =	sadd.s32 s20, s1;
	(pc) =	sbr.rel @!p0 .LBB1_12-.Ltmp10, $4  }
0x90: {  	s0 =	sadd.s32 s20, s0;
	[tilespmem:s1+$0x0 ss:$0x81] =	vst.msk $0xffff, v4  }
0x91: {  	s31 =	sadd.s32 s20, s31;
	[tilespmem:s0+$0x0 ss:$0x81] =	vst.msk $0xffff, v5  }
0x92: {  	[tilespmem:s31+$0x0 ss:$0x81] =	vst.msk $0xffff, v63  }
0x93: {  	_ = 	snop  }
.LBB1_6:
.Ltmp11:
0x94: {  	(pc) =	sbr.rel .LBB1_11-.Ltmp11, $2  }
0x95: {  	_ =	sdelay $0x2  }
0x96: {  	_ = 	snop  }
.LBB1_8:
.Ltmp12:
0x97: {  	(pc) =	sbr.rel .LBB1_11-.Ltmp12, $2  }
0x98: {  	_ =	sdelay $0x2  }
0x99: {  	s6 =	simm.s32 $0x1  }
.LBB1_15:
0x9a: {  	_ =	sfence.sel $0x180000  }
0x9b: {  	s0 =	simm.s32 $0x1;
	[bflag:$0x0] =	sbarrier.arrive $0xFFFF  }
0x9c: {  	s30 =	simm.s32 $0x2;
	[sflag:s0] =	ssyncpa.u1 $0x1  }
0x9d: {  	[sflag:s30] =	ssyncpa.u1 $0x1  }
0x9e: {  	_ =	strace $0x9000004A  }
0x9f: {  	s31 =	stileid.u32;
	[bflag:$0x2] =	sbarrier.arrive $0xFFFF  }
0xa0: {  	p0 =	sne.s32 s31, $0x0;
	s0 =	rddreg [dreg:$0x2]  }
0xa1: {  	s0 =	sadd.s32 @!p0 $0x100000, s0  }
0xa2: {  	[sflag:s0] =	ssyncadd.tile.s32 @!p0 $0x1;
	_ =	shalt  }
.Lfunc_end1:
_tile_overlayer_lowered:
.L_overlay_start_2:
0xa3: {  	(tag) =	ssettag $0x2  }
0xa4: {  	s0 =	rddreg [dreg:$0x0];
	s2 =	stileid.u32  }
0xa5: {  	s1 =	rddreg [dreg:$0x1];
	p0 =	sne.s32 s2, $0x0  }
0xa6: {  	s3 =	rddreg [dreg:$0x2];
	[bflag:$0x3] =	sbarrier.arrive $0xFFFF;
	s2 =	simm.s32 @!p0 $0x1C01  }
0xa7: {  	[timem:s3], [sflag:s2] =	dma.local @!p0 [hbm:s0], s1  }
0xa8: {  	s0 =	simm.s32 @!p0 $0x1  }
0xa9: {  	_ =	swait.ge @!p0 [sflag:s0], s1  }
0xaa: {  	s1 =	ssub.s32 @!p0 $0x0, s1;
	[sflag:s0] =	ssyncset.done @!p0 $0x0  }
0xab: {  	[sflag:s0] =	ssyncadd.s32 @!p0 s1  }
0xac: {  	[bflag:$0x3] =	sbarrier.arrive $0xFFFF  }
0xad: {  	_ =	shalt  }

</sc_bundles>
